<compile_context>
chip_gen: v7x
topology: tpu7x:2x2x1
jax: 0.10.2.dev20260603
libtpu: 0.0.44.dev20260713+nightly
codegen_flags: <defaults>
</compile_context>

<pallas_src>
import functools

import jax
import jax.numpy as jnp
from jax import lax
from jax.experimental import pallas as pl
from jax.experimental.pallas import tpu as pltpu
from jax.experimental.pallas import tpu_sc as plsc

V = 16000
EMB = 512
H = 768
NH4 = 4 * H
B = 8
S = 256
TMAX = 16
NVC = 5
CV = V // NVC


def _embed_gather(table, idx):
    info = plsc.get_sparse_core_info()
    nc, ns = info.num_cores, info.num_subcores
    nw = nc * ns
    n = idx.shape[0]
    d = table.shape[1]
    b_per_w = n // nw
    mesh = plsc.VectorSubcoreMesh(core_axis_name="c", subcore_axis_name="s")

    @functools.partial(
        pl.kernel,
        mesh=mesh,
        out_type=jax.ShapeDtypeStruct((n, d), jnp.float32),
        scratch_types=[
            pltpu.VMEM((b_per_w,), jnp.int32),
            pltpu.VMEM((b_per_w, d), jnp.float32),
            pltpu.SemaphoreType.DMA,
        ],
    )
    def k(table_hbm, idx_hbm, out_hbm, idx_v, rows_v, sem):
        wid = lax.axis_index("s") * nc + lax.axis_index("c")
        base = wid * b_per_w
        pltpu.sync_copy(idx_hbm.at[pl.ds(base, b_per_w)], idx_v)
        pltpu.async_copy(table_hbm.at[idx_v], rows_v, sem).wait()
        pltpu.sync_copy(rows_v, out_hbm.at[pl.ds(base, b_per_w)])

    return k(table, idx)


def _mm_body(x_ref, w_ref, b_ref, o_ref):
    o_ref[...] = (
        jnp.dot(x_ref[...], w_ref[...], preferred_element_type=jnp.float32)
        + b_ref[...]
    )


def _matmul_bias(x, wT, b):
    m, k = x.shape
    n = wT.shape[1]
    bn = 768
    return pl.pallas_call(
        _mm_body,
        grid=(n // bn,),
        in_specs=[
            pl.BlockSpec((m, k), lambda j: (0, 0)),
            pl.BlockSpec((k, bn), lambda j: (0, j)),
            pl.BlockSpec((1, bn), lambda j: (0, j)),
        ],
        out_specs=pl.BlockSpec((m, bn), lambda j: (0, j)),
        out_shape=jax.ShapeDtypeStruct((m, n), jnp.float32),
        compiler_params=pltpu.CompilerParams(
            dimension_semantics=("arbitrary",),
        ),
    )(x, wT, b.reshape(1, n))


def _lstm_body(g_ref, whh_ref, hseq_ref, cfin_ref, h_sc, c_sc):
    t = pl.program_id(0)

    @pl.when(t == 0)
    def _():
        h_sc[...] = jnp.zeros_like(h_sc)
        c_sc[...] = jnp.zeros_like(c_sc)

    g = g_ref[0] + jnp.dot(
        h_sc[...], whh_ref[...], preferred_element_type=jnp.float32
    )
    ig = jax.nn.sigmoid(g[:, :H])
    fg = jax.nn.sigmoid(g[:, H : 2 * H])
    gg = jnp.tanh(g[:, 2 * H : 3 * H])
    og = jax.nn.sigmoid(g[:, 3 * H :])
    c2 = fg * c_sc[...] + ig * gg
    h2 = og * jnp.tanh(c2)
    h_sc[...] = h2
    c_sc[...] = c2
    hseq_ref[0] = h2

    @pl.when(t == S - 1)
    def _():
        cfin_ref[...] = c2


def _mm8_body(x_ref, w_ref, b_ref, o_ref):
    o_ref[0] = (
        jnp.dot(x_ref[0], w_ref[...], preferred_element_type=jnp.float32)
        + b_ref[...]
    )


def _matmul_rows(xseq, wT, b):
    k = xseq.shape[2]
    return pl.pallas_call(
        _mm8_body,
        grid=(S,),
        in_specs=[
            pl.BlockSpec((1, B, k), lambda t: (t, 0, 0)),
            pl.BlockSpec((k, NH4), lambda t: (0, 0)),
            pl.BlockSpec((1, NH4), lambda t: (0, 0)),
        ],
        out_specs=pl.BlockSpec((1, B, NH4), lambda t: (t, 0, 0)),
        out_shape=jax.ShapeDtypeStruct((S, B, NH4), jnp.float32),
        compiler_params=pltpu.CompilerParams(
            dimension_semantics=("arbitrary",),
        ),
    )(xseq, wT, b.reshape(1, NH4))


def _lstm_scan(g, whhT):
    return pl.pallas_call(
        _lstm_body,
        grid=(S,),
        in_specs=[
            pl.BlockSpec((1, B, NH4), lambda t: (t, 0, 0)),
            pl.BlockSpec((H, NH4), lambda t: (0, 0)),
        ],
        out_specs=[
            pl.BlockSpec((1, B, H), lambda t: (t, 0, 0)),
            pl.BlockSpec((B, H), lambda t: (0, 0)),
        ],
        out_shape=[
            jax.ShapeDtypeStruct((S, B, H), jnp.float32),
            jax.ShapeDtypeStruct((B, H), jnp.float32),
        ],
        scratch_shapes=[
            pltpu.VMEM((B, H), jnp.float32),
            pltpu.VMEM((B, H), jnp.float32),
        ],
        compiler_params=pltpu.CompilerParams(
            dimension_semantics=("arbitrary",),
        ),
    )(g, whhT)


def _dec_body(
    eh0, eh1, ec1, wih, whh, bih, bhh, wq, wk, wv, wo, bq, bk, bv, bo,
    wlin, blin, emb_tab,
    douts_ref, res_ref,
    h_sc, c_sc, attn_sc, emb_sc, ke0, ke1, ve0, ve1, cv_sc, ct_sc,
    g_sc, tokv, toks, esem, psem,
):
    t = pl.program_id(0)
    v = pl.program_id(1)

    def _fetch_emb_and_project():
        for i in range(B):
            pltpu.make_async_copy(
                emb_tab.at[pl.ds(toks[i, 0], 1), :],
                emb_sc.at[pl.ds(i, 1), :],
                esem,
            ).start()
        for i in range(B):
            pltpu.make_async_copy(
                emb_tab.at[pl.ds(toks[i, 0], 1), :],
                emb_sc.at[pl.ds(i, 1), :],
                esem,
            ).wait()
        g_sc[...] = jnp.dot(
            emb_sc[...], wih[...], preferred_element_type=jnp.float32
        )

    @pl.when(v == 0)
    def _step_head():
        @pl.when(t == 0)
        def _():
            h_sc[...] = eh1[...]
            c_sc[...] = ec1[...]
            ke0[...] = jnp.dot(eh0[...], wk[...], preferred_element_type=jnp.float32) + bk[...]
            ke1[...] = jnp.dot(eh1[...], wk[...], preferred_element_type=jnp.float32) + bk[...]
            ve0[...] = jnp.dot(eh0[...], wv[...], preferred_element_type=jnp.float32) + bv[...]
            ve1[...] = jnp.dot(eh1[...], wv[...], preferred_element_type=jnp.float32) + bv[...]
            for i in range(B):
                toks[i, 0] = 1
            _fetch_emb_and_project()

        cv_sc[...] = jnp.full_like(cv_sc, -jnp.inf)

        g = (
            g_sc[...]
            + jnp.dot(h_sc[...], whh[...], preferred_element_type=jnp.float32)
            + bih[...]
            + bhh[...]
        )
        ig = jax.nn.sigmoid(g[:, :H])
        fg = jax.nn.sigmoid(g[:, H : 2 * H])
        gg = jnp.tanh(g[:, 2 * H : 3 * H])
        og = jax.nn.sigmoid(g[:, 3 * H :])
        c2 = fg * c_sc[...] + ig * gg
        h2 = og * jnp.tanh(c2)
        h_sc[...] = h2
        c_sc[...] = c2

        q = jnp.dot(h2, wq[...], preferred_element_type=jnp.float32) + bq[...]
        kd = jnp.dot(h2, wk[...], preferred_element_type=jnp.float32) + bk[...]
        vd = jnp.dot(h2, wv[...], preferred_element_type=jnp.float32) + bv[...]
        kall = jnp.concatenate([ke0[...], ke1[...], kd], axis=0)
        vall = jnp.concatenate([ve0[...], ve1[...], vd], axis=0)
        s24 = lax.dot_general(
            q, kall, (((1,), (1,)), ((), ())),
            preferred_element_type=jnp.float32,
        )
        lane24 = lax.broadcasted_iota(jnp.int32, (B, 3 * B), 1)
        row24 = lax.broadcasted_iota(jnp.int32, (B, 3 * B), 0)
        sq = jnp.sqrt(jnp.float32(H))
        sel = [lane24 == (j * B + row24) for j in range(3)]
        s0 = jnp.sum(jnp.where(sel[0], s24, 0.0), 1, keepdims=True) / sq
        s1 = jnp.sum(jnp.where(sel[1], s24, 0.0), 1, keepdims=True) / sq
        s2 = jnp.sum(jnp.where(sel[2], s24, 0.0), 1, keepdims=True) / sq
        mx = jnp.maximum(jnp.maximum(s0, s1), s2)
        e0 = jnp.exp(s0 - mx)
        e1 = jnp.exp(s1 - mx)
        e2 = jnp.exp(s2 - mx)
        den = e0 + e1 + e2
        wfull = (
            jnp.where(sel[0], e0 / den, 0.0)
            + jnp.where(sel[1], e1 / den, 0.0)
            + jnp.where(sel[2], e2 / den, 0.0)
        )
        at = jnp.dot(wfull, vall, preferred_element_type=jnp.float32)
        attn_sc[...] = jnp.dot(at, wo[...], preferred_element_type=jnp.float32) + bo[...]

    logits = (
        jnp.dot(attn_sc[...], wlin[...], preferred_element_type=jnp.float32)
        + blin[...]
    )
    douts_ref[0] = logits
    lane = lax.broadcasted_iota(jnp.int32, (B, CV), 1)
    mx = jnp.max(logits, axis=1, keepdims=True)
    l0 = jnp.min(jnp.where(logits == mx, lane, CV), axis=1, keepdims=True)
    lane128 = lax.broadcasted_iota(jnp.int32, (B, 128), 1)
    upd = lane128 == v
    cv_sc[...] = jnp.where(upd, mx, cv_sc[...])
    ct_sc[...] = jnp.where(upd, l0 + v * CV, ct_sc[...])

    @pl.when(v == NVC - 1)
    def _step_tail():
        mz = jnp.max(cv_sc[...], axis=1, keepdims=True)
        lz = jnp.min(
            jnp.where(cv_sc[...] == mz, lane128, 128), axis=1, keepdims=True
        )
        tokv[...] = jnp.sum(
            jnp.where(lane128 == lz, ct_sc[...], 0), axis=1, keepdims=True
        )
        cp = pltpu.make_async_copy(tokv, toks, psem)
        cp.start()
        cp.wait()

        @pl.when(t == 0)
        def _():
            for i in range(B):
                res_ref[i, 0] = 1

        for i in range(B):
            res_ref[i, t + 1] = toks[i, 0]

        @pl.when(t < TMAX - 1)
        def _():
            _fetch_emb_and_project()


def _decode(eh0, eh1, ec1, wih, whh, bih, bhh, wq, wk, wv, wo, bq, bk, bv, bo,
            wlinT, blin, emb_tab):
    fixed = lambda t, v: (0, 0)
    vchunk = lambda t, v: (0, v)
    return pl.pallas_call(
        _dec_body,
        grid=(TMAX, NVC),
        in_specs=[
            pl.BlockSpec((B, H), fixed),
            pl.BlockSpec((B, H), fixed),
            pl.BlockSpec((B, H), fixed),
            pl.BlockSpec((EMB, NH4), fixed),
            pl.BlockSpec((H, NH4), fixed),
            pl.BlockSpec((1, NH4), fixed),
            pl.BlockSpec((1, NH4), fixed),
            pl.BlockSpec((H, H), fixed),
            pl.BlockSpec((H, H), fixed),
            pl.BlockSpec((H, H), fixed),
            pl.BlockSpec((H, H), fixed),
            pl.BlockSpec((1, H), fixed),
            pl.BlockSpec((1, H), fixed),
            pl.BlockSpec((1, H), fixed),
            pl.BlockSpec((1, H), fixed),
            pl.BlockSpec((H, CV), vchunk),
            pl.BlockSpec((1, CV), vchunk),
            pl.BlockSpec(memory_space=pl.ANY),
        ],
        out_specs=[
            pl.BlockSpec((1, B, CV), lambda t, v: (t, 0, v)),
            pl.BlockSpec(memory_space=pltpu.MemorySpace.SMEM),
        ],
        out_shape=[
            jax.ShapeDtypeStruct((TMAX, B, V), jnp.float32),
            jax.ShapeDtypeStruct((B, TMAX + 1), jnp.int32),
        ],
        scratch_shapes=[
            pltpu.VMEM((B, H), jnp.float32),
            pltpu.VMEM((B, H), jnp.float32),
            pltpu.VMEM((B, H), jnp.float32),
            pltpu.VMEM((B, EMB), jnp.float32),
            pltpu.VMEM((B, H), jnp.float32),
            pltpu.VMEM((B, H), jnp.float32),
            pltpu.VMEM((B, H), jnp.float32),
            pltpu.VMEM((B, H), jnp.float32),
            pltpu.VMEM((B, 128), jnp.float32),
            pltpu.VMEM((B, 128), jnp.int32),
            pltpu.VMEM((B, NH4), jnp.float32),
            pltpu.VMEM((B, 1), jnp.int32),
            pltpu.SMEM((B, 1), jnp.int32),
            pltpu.SemaphoreType.DMA,
            pltpu.SemaphoreType.DMA,
        ],
        compiler_params=pltpu.CompilerParams(
            dimension_semantics=("arbitrary", "arbitrary"),
            vmem_limit_bytes=128 * 1024 * 1024,
        ),
    )(eh0, eh1, ec1, wih, whh, bih, bhh, wq, wk, wv, wo, bq, bk, bv, bo,
      wlinT, blin, emb_tab)


def kernel(params, text):
    p = params
    x = _embed_gather(p["enc_emb"], text.reshape(-1))
    g0 = _matmul_bias(x, p["enc_Wih0"].T, p["enc_bih0"] + p["enc_bhh0"])
    h0seq, _ = _lstm_scan(g0.reshape(S, B, NH4), p["enc_Whh0"].T)
    g1 = _matmul_rows(h0seq, p["enc_Wih1"].T, p["enc_bih1"] + p["enc_bhh1"])
    h1seq, c1 = _lstm_scan(g1, p["enc_Whh1"].T)
    douts, res = _decode(
        h0seq[-1], h1seq[-1], c1, p["dec_Wih"].T, p["dec_Whh"].T,
        p["dec_bih"].reshape(1, NH4), p["dec_bhh"].reshape(1, NH4),
        p["Wq"].T, p["Wk"].T, p["Wv"].T, p["Wo"].T,
        p["bq"].reshape(1, H), p["bk"].reshape(1, H),
        p["bv"].reshape(1, H), p["bo"].reshape(1, H),
        p["Wlin"].T, p["blin"].reshape(1, V), p["dec_emb"],
    )
    row0 = jnp.zeros((1, B, V), jnp.float32).at[:, :, 1].set(1.0)
    logits = jnp.transpose(jnp.concatenate([row0, douts], axis=0), (1, 2, 0))
    return res, logits

# --- scband reference (transcript-rebuilt; emitter-appended) ---
"""Pipeline reference for scband-beam-search-summarization-model-34162169873093 (READ-ONLY COPY).

The authoritative reference and input builder live on the scoring server;
editing this copy changes nothing except your own understanding.
"""

import jax, jax.numpy as jnp
import numpy as np

V = 16000
EMB = 512
H = 768
L = 2
BEAM = 3
TMAX = 16


def _nrm(k, shape, s=0.05):
    return jax.random.normal(k, shape, dtype=jnp.float32) * s


def setup_inputs(seed: int = 0):
    key = jax.random.key(seed)
    ki = lambda i: jax.random.fold_in(key, i)
    text = jax.random.randint(ki(0), (256, 8), 0, V, dtype=jnp.int32)
    p = {}
    p['enc_emb'] = _nrm(ki(1), (V, EMB))
    for l in range(L):
        din = EMB if l == 0 else H
        p[f'enc_Wih{l}'] = _nrm(ki(10 + 4 * l), (4 * H, din))
        p[f'enc_Whh{l}'] = _nrm(ki(11 + 4 * l), (4 * H, H))
        p[f'enc_bih{l}'] = jnp.zeros((4 * H,), jnp.float32)
        p[f'enc_bhh{l}'] = jnp.zeros((4 * H,), jnp.float32)
    p['dec_emb'] = _nrm(ki(30), (V, EMB))
    p['dec_Wih'] = _nrm(ki(31), (4 * H, EMB))
    p['dec_Whh'] = _nrm(ki(32), (4 * H, H))
    p['dec_bih'] = jnp.zeros((4 * H,), jnp.float32)
    p['dec_bhh'] = jnp.zeros((4 * H,), jnp.float32)
    for i, nm in enumerate(['Wq', 'Wk', 'Wv', 'Wo']):
        p[nm] = _nrm(ki(40 + i), (H, H))
        p['b' + nm[1]] = jnp.zeros((H,), jnp.float32)
    p['Wlin'] = _nrm(ki(50), (V, H))
    p['blin'] = jnp.zeros((V,), jnp.float32)
    return {"params": p, "text": text}


def _lstm_cell(x, h, c, Wih, Whh, bih, bhh):
    g = x @ Wih.T + h @ Whh.T + bih + bhh
    i, f, gg, o = jnp.split(g, 4, axis=-1)
    i = jax.nn.sigmoid(i)
    f = jax.nn.sigmoid(f)
    o = jax.nn.sigmoid(o)
    gg = jnp.tanh(gg)
    c2 = f * c + i * gg
    return o * jnp.tanh(c2), c2


def _encoder(p, text):
    x = p['enc_emb'][text]  # (S, B, EMB)
    B = text.shape[1]
    hs = []
    cs = []
    for l in range(L):
        Wih = p[f'enc_Wih{l}']
        Whh = p[f'enc_Whh{l}']
        bih = p[f'enc_bih{l}']
        bhh = p[f'enc_bhh{l}']

        def step(carry, xt, Wih=Wih, Whh=Whh, bih=bih, bhh=bhh):
            h, c = carry
            h2, c2 = _lstm_cell(xt, h, c, Wih, Whh, bih, bhh)
            return (h2, c2), h2

        (hT, cT), out = jax.lax.scan(step, (jnp.zeros((B, H)), jnp.zeros((B, H))), x)
        x = out
        hs.append(hT)
        cs.append(cT)
    return jnp.stack(hs), jnp.stack(cs)  # (L, B, H)


def _decoder_step(p, tok, h, c, enc_h):
    emb = p['dec_emb'][tok]  # (1, B, EMB)
    h2, c2 = _lstm_cell(emb[0], h[0], c[0], p['dec_Wih'], p['dec_Whh'], p['dec_bih'], p['dec_bhh'])
    dec_h = h2[None]  # (1, B, H)
    all_h = jnp.concatenate([enc_h, dec_h], axis=0)  # (L+1, B, H)
    q = dec_h @ p['Wq'].T + p['bq']
    k = all_h @ p['Wk'].T + p['bk']
    v = all_h @ p['Wv'].T + p['bv']
    scores = jnp.einsum('qbh,kbh->bqk', q, k) / jnp.sqrt(jnp.float32(H))
    w = jax.nn.softmax(scores, axis=-1)
    attn = jnp.einsum('bqk,kbh->qbh', w, v)
    attn = attn @ p['Wo'].T + p['bo']
    out = attn[0] @ p['Wlin'].T + p['blin']  # (B, V)
    return out, dec_h, c2[None]


def _beam_search(p, text):
    B = text.shape[1]
    enc_h, enc_c = _encoder(p, text)
    beam_h = jnp.stack([enc_h[-1:] for _ in range(BEAM)])  # (BEAM, 1, B, H)
    beam_c = jnp.stack([enc_c[-1:] for _ in range(BEAM)])
    result = jnp.full((BEAM, TMAX + 1, B), 1, dtype=jnp.int32)
    logits = jnp.zeros((BEAM, TMAX + 1, B, V), jnp.float32).at[:, 0, :, 1].set(1.0)

    def body(carry, t):
        result, logits, beam_h, beam_c = carry
        cur = jax.lax.dynamic_index_in_dim(result, t, axis=1, keepdims=False)  # (BEAM, B)
        dec_outs = []
        hs = []
        cs = []
        plist = []
        tlist = []
        for b in range(BEAM):
            tok = cur[b][None]  # (1, B)
            out, h2, c2 = _decoder_step(p, tok, beam_h[b], beam_c[b], enc_h)
            dec_outs.append(out)
            hs.append(h2)
            cs.append(c2)
            pv, tv = jax.lax.top_k(out, BEAM)  # (B, BEAM)
            plist.append(pv)
            tlist.append(tv)
        all_p = jnp.concatenate(plist, axis=1)  # (B, BEAM*BEAM)
        all_t = jnp.concatenate(tlist, axis=1)
        topv, topi = jax.lax.top_k(all_p, BEAM)  # (B, BEAM)
        old_beam = topi // BEAM
        tokens = jnp.take_along_axis(all_t, topi, axis=1)  # (B, BEAM)
        ob = old_beam.T  # (BEAM, B)
        result = jnp.take_along_axis(result, jnp.broadcast_to(ob[:, None, :], result.shape), axis=0)
        logits = jnp.take_along_axis(logits, jnp.broadcast_to(ob[:, None, :, None], logits.shape), axis=0)
        hstack = jnp.stack(hs)  # (BEAM, 1, B, H)
        cstack = jnp.stack(cs)
        hg = jnp.take_along_axis(hstack, jnp.broadcast_to(ob[:, None, :, None], hstack.shape), axis=0)
        cg = jnp.take_along_axis(cstack, jnp.broadcast_to(ob[:, None, :, None], cstack.shape), axis=0)
        douts = jnp.stack(dec_outs)  # (BEAM, B, V)
        new_logit = jnp.take_along_axis(douts, jnp.broadcast_to(ob[:, :, None], douts.shape), axis=0)
        result = jax.lax.dynamic_update_index_in_dim(
            result, tokens.T.astype(result.dtype), t + 1, axis=1)
        logits = jax.lax.dynamic_update_index_in_dim(logits, new_logit, t + 1, axis=1)
        return (result, logits, hg, cg), None

    (result, logits, beam_h, beam_c), _ = jax.lax.scan(
        body, (result, logits, beam_h, beam_c), jnp.arange(TMAX))
    output_res = result[0].T  # (B, TMAX+1)
    output_logits = jnp.transpose(logits[0], (1, 2, 0))  # (B, V, TMAX+1)
    return output_res, output_logits


def reference(params, text):
    return _beam_search(params, text)

if __name__ == "__main__":
    import jax
    _d = setup_inputs()
    print(jax.jit(kernel)(*tuple(_d.values())))

</pallas_src>

<mosaic_0001>
#map = affine_map<(d0, d1) -> (0, 0)>
#map1 = affine_map<(d0, d1) -> (0)>
module attributes {stable_mosaic.version = 14 : i64} {
  func.func @k(%arg0: i32, %arg1: i32, %arg2: memref<16000x512xf32, #tpu.memory_space<hbm>>, %arg3: memref<2048xi32, #tpu.memory_space<hbm>>, %arg4: memref<2048x512xf32, #tpu.memory_space<hbm>>, %arg5: memref<64xi32, #tpu.memory_space<vmem>>, %arg6: memref<64x512xf32, #tpu.memory_space<vmem>>, %arg7: memref<!tpu.dma_semaphore, #tpu.memory_space<semaphore_mem>>) attributes {dimension_semantics = [#tpu.dimension_semantics<core_parallel>, #tpu.dimension_semantics<subcore_parallel>], iteration_bounds = array<i64: 2, 16>, scalar_prefetch = 0 : i64, scratch_operands = 3 : i64, tpu.core_type = #tpu.core_type<sc_vector_subcore>, window_params = [{transform_indices = #map}, {transform_indices = #map1}, {transform_indices = #map}]} {
    %mul3A = arith.constant 2 : i32
    %mul3A_0 = arith.muli %arg1, %mul3A : i32
    %add3A = arith.addi %mul3A_0, %arg0 : i32
    %mul3A_1 = arith.constant 64 : i32
    %mul3A_2 = arith.muli %add3A, %mul3A_1 : i32
    "tpu.region"() ({
      %run_scoped3A = tpu.sem_alloc : memref<!tpu.dma_semaphore, #tpu.memory_space<semaphore_mem>>
      %dma_start3A_7 = tpu.memref_slice %arg3[%mul3A_2] : memref<2048xi32, #tpu.memory_space<hbm>> -> memref<64xi32, #tpu.memory_space<hbm>>
      %dma_start3A_8 = tpu.memref_slice %arg3[%mul3A_2] : memref<2048xi32, #tpu.memory_space<hbm>> -> memref<64xi32, #tpu.memory_space<hbm>>
      tpu.enqueue_dma source(%dma_start3A_8 : memref<64xi32, #tpu.memory_space<hbm>>) target(%arg5 : memref<64xi32, #tpu.memory_space<vmem>>) target_semaphore(%run_scoped3A : memref<!tpu.dma_semaphore, #tpu.memory_space<semaphore_mem>>)
      %dma_wait3A_9 = tpu.memref_slice %arg3[%mul3A_2] : memref<2048xi32, #tpu.memory_space<hbm>> -> memref<64xi32, #tpu.memory_space<hbm>>
      %dma_wait3A_10 = tpu.memref_slice %arg3[%mul3A_2] : memref<2048xi32, #tpu.memory_space<hbm>> -> memref<64xi32, #tpu.memory_space<hbm>>
      tpu.wait_dma2 semaphore(%run_scoped3A : memref<!tpu.dma_semaphore, #tpu.memory_space<semaphore_mem>>) src(%dma_wait3A_10 : memref<64xi32, #tpu.memory_space<hbm>>) dst(%arg5 : memref<64xi32, #tpu.memory_space<vmem>>)
      tpu.yield
    }) : () -> ()
    %dma_start3A = arith.constant 0 : i32
    %dma_start3A_3 = arith.constant 0 : i32
    %dma_start3A_4 = tpu.memref_slice %arg2[%dma_start3A, %dma_start3A_3] : memref<16000x512xf32, #tpu.memory_space<hbm>> -> memref<16000x512xf32, #tpu.memory_space<hbm>>
    tpu.enqueue_indirect_dma source(%dma_start3A_4 : memref<16000x512xf32, #tpu.memory_space<hbm>>) target(%arg6 : memref<64x512xf32, #tpu.memory_space<vmem>>) offsets(%arg5 : memref<64xi32, #tpu.memory_space<vmem>>) semaphore(%arg7 : memref<!tpu.dma_semaphore, #tpu.memory_space<semaphore_mem>>)
    %dma_wait3A = arith.constant 0 : i32
    %dma_wait3A_5 = arith.constant 0 : i32
    %dma_wait3A_6 = tpu.memref_slice %arg2[%dma_wait3A, %dma_wait3A_5] : memref<16000x512xf32, #tpu.memory_space<hbm>> -> memref<16000x512xf32, #tpu.memory_space<hbm>>
    tpu.wait_indirect_dma semaphore(%arg7 : memref<!tpu.dma_semaphore, #tpu.memory_space<semaphore_mem>>) src(%dma_wait3A_6 : memref<16000x512xf32, #tpu.memory_space<hbm>>) dst(%arg6 : memref<64x512xf32, #tpu.memory_space<vmem>>)
    "tpu.region"() ({
      %run_scoped3A = tpu.sem_alloc : memref<!tpu.dma_semaphore, #tpu.memory_space<semaphore_mem>>
      %dma_start3A_7 = arith.constant 0 : i32
      %dma_start3A_8 = tpu.memref_slice %arg4[%mul3A_2, %dma_start3A_7] : memref<2048x512xf32, #tpu.memory_space<hbm>> -> memref<64x512xf32, #tpu.memory_space<hbm>>
      %dma_start3A_9 = arith.constant 0 : i32
      %dma_start3A_10 = tpu.memref_slice %arg4[%mul3A_2, %dma_start3A_9] : memref<2048x512xf32, #tpu.memory_space<hbm>> -> memref<64x512xf32, #tpu.memory_space<hbm>>
      tpu.enqueue_dma source(%arg6 : memref<64x512xf32, #tpu.memory_space<vmem>>) target(%dma_start3A_10 : memref<64x512xf32, #tpu.memory_space<hbm>>) target_semaphore(%run_scoped3A : memref<!tpu.dma_semaphore, #tpu.memory_space<semaphore_mem>>)
      %dma_wait3A_11 = arith.constant 0 : i32
      %dma_wait3A_12 = tpu.memref_slice %arg4[%mul3A_2, %dma_wait3A_11] : memref<2048x512xf32, #tpu.memory_space<hbm>> -> memref<64x512xf32, #tpu.memory_space<hbm>>
      %dma_wait3A_13 = arith.constant 0 : i32
      %dma_wait3A_14 = tpu.memref_slice %arg4[%mul3A_2, %dma_wait3A_13] : memref<2048x512xf32, #tpu.memory_space<hbm>> -> memref<64x512xf32, #tpu.memory_space<hbm>>
      tpu.wait_dma2 semaphore(%run_scoped3A : memref<!tpu.dma_semaphore, #tpu.memory_space<semaphore_mem>>) src(%arg6 : memref<64x512xf32, #tpu.memory_space<vmem>>) dst(%dma_wait3A_14 : memref<64x512xf32, #tpu.memory_space<hbm>>)
      tpu.yield
    }) : () -> ()
    return
  }
}

module attributes {stable_mosaic.version = 14 : i64} {
  func.func @_mm_body(%arg0: i32, %arg1: memref<2048x512xf32, #tpu.memory_space<vmem>>, %arg2: memref<512x768xf32, #tpu.memory_space<vmem>>, %arg3: memref<1x768xf32, #tpu.memory_space<vmem>>, %arg4: memref<2048x768xf32, #tpu.memory_space<vmem>>) attributes {dimension_semantics = [#tpu.dimension_semantics<arbitrary>], iteration_bounds = array<i64: 4>, scalar_prefetch = 0 : i64, scratch_operands = 0 : i64, tpu.core_type = #tpu.core_type<tc>, window_params = [{pipeline_mode = #tpu.pipeline_mode<synchronous>, transform_indices = @transform_0, window_bounds = array<i64: 2048, 512>}, {transform_indices = @transform_1, window_bounds = array<i64: 512, 768>}, {transform_indices = @transform_2, window_bounds = array<i64: 1, 768>}, {transform_indices = @transform_3, window_bounds = array<i64: 2048, 768>}]} {
    %get3A = arith.constant 0 : index
    %get3A_0 = arith.constant 0 : index
    %get3A_1 = vector.load %arg1[%get3A, %get3A_0] : memref<2048x512xf32, #tpu.memory_space<vmem>>, vector<2048x512xf32>
    %get3A_2 = arith.constant 0 : index
    %get3A_3 = arith.constant 0 : index
    %get3A_4 = vector.load %arg2[%get3A_2, %get3A_3] : memref<512x768xf32, #tpu.memory_space<vmem>>, vector<512x768xf32>
    %dot_general3A = arith.constant dense<0.000000e+00> : vector<2048x768xf32>
    %dot_general3A_5 = tpu.matmul %get3A_1, %get3A_4, %dot_general3A {dimension_numbers = #tpu.dot_dimension_numbers<[1], [0], [0], [1], [0, 0, 1, 1], [], []>, transpose_lhs_hint = false} : vector<2048x512xf32>, vector<512x768xf32>, vector<2048x768xf32> -> vector<2048x768xf32>
    %get3A_6 = arith.constant 0 : index
    %get3A_7 = arith.constant 0 : index
    %get3A_8 = vector.load %arg3[%get3A_6, %get3A_7] : memref<1x768xf32, #tpu.memory_space<vmem>>, vector<1x768xf32>
    %add3A = vector.broadcast %get3A_8 : vector<1x768xf32> to vector<2048x768xf32>
    %add3A_9 = arith.addf %dot_general3A_5, %add3A : vector<2048x768xf32>
    %swap3A = arith.constant 0 : index
    %swap3A_10 = arith.constant 0 : index
    %swap3A_11 = vector.load %arg4[%swap3A, %swap3A_10] : memref<2048x768xf32, #tpu.memory_space<vmem>>, vector<2048x768xf32>
    tpu.vector_store %arg4[%swap3A, %swap3A_10], %add3A_9 {strides = array<i32>} : memref<2048x768xf32, #tpu.memory_space<vmem>>, vector<2048x768xf32>,
    return
  }
  func.func @transform_0(%arg0: i32) -> (i32, i32) {
    %c0_i32 = arith.constant 0 : i32
    %c0_i32_0 = arith.constant 0 : i32
    %c0_i32_1 = arith.constant 0 : i32
    return %c0_i32, %c0_i32_0 : i32, i32
  }
  func.func @transform_1(%arg0: i32) -> (i32, i32) {
    %c0_i32 = arith.constant 0 : i32
    %c0_i32_0 = arith.constant 0 : i32
    return %c0_i32, %arg0 : i32, i32
  }
  func.func @transform_2(%arg0: i32) -> (i32, i32) {
    %c0_i32 = arith.constant 0 : i32
    %c0_i32_0 = arith.constant 0 : i32
    return %c0_i32, %arg0 : i32, i32
  }
  func.func @transform_3(%arg0: i32) -> (i32, i32) {
    %c0_i32 = arith.constant 0 : i32
    %c0_i32_0 = arith.constant 0 : i32
    return %c0_i32, %arg0 : i32, i32
  }
}

module attributes {stable_mosaic.version = 14 : i64} {
  func.func @_lstm_body(%arg0: i32, %arg1: memref<1x8x3072xf32, #tpu.memory_space<vmem>>, %arg2: memref<768x3072xf32, #tpu.memory_space<vmem>>, %arg3: memref<1x8x768xf32, #tpu.memory_space<vmem>>, %arg4: memref<8x768xf32, #tpu.memory_space<vmem>>, %arg5: memref<8x768xf32, #tpu.memory_space<vmem>>, %arg6: memref<8x768xf32, #tpu.memory_space<vmem>>) attributes {dimension_semantics = [#tpu.dimension_semantics<arbitrary>], iteration_bounds = array<i64: 256>, scalar_prefetch = 0 : i64, scratch_operands = 2 : i64, tpu.core_type = #tpu.core_type<tc>, window_params = [{transform_indices = @transform_0, window_bounds = array<i64: 1, 8, 3072>}, {pipeline_mode = #tpu.pipeline_mode<synchronous>, transform_indices = @transform_1, window_bounds = array<i64: 768, 3072>}, {transform_indices = @transform_2, window_bounds = array<i64: 1, 8, 768>}, {pipeline_mode = #tpu.pipeline_mode<synchronous>, transform_indices = @transform_3, window_bounds = array<i64: 8, 768>}]} {
    %eq3A = arith.constant 0 : i32
    %eq3A_0 = arith.cmpi eq, %arg0, %eq3A : i32
    %convert_element_type3A = arith.extui %eq3A_0 : i1 to i32
    %cond3A = arith.constant 0 : i32
    %cond3A_1 = arith.cmpi ne, %convert_element_type3A, %cond3A : i32
    scf.if %cond3A_1 {
      %broadcast_in_dim3A = arith.constant 0.000000e+00 : f32
      %broadcast_in_dim3A_56 = vector.broadcast %broadcast_in_dim3A : f32 to vector<8x768xf32>
      %swap3A_57 = arith.constant 0 : index
      %swap3A_58 = arith.constant 0 : index
      %swap3A_59 = vector.load %arg5[%swap3A_57, %swap3A_58] : memref<8x768xf32, #tpu.memory_space<vmem>>, vector<8x768xf32>
      tpu.vector_store %arg5[%swap3A_57, %swap3A_58], %broadcast_in_dim3A_56 {strides = array<i32>} : memref<8x768xf32, #tpu.memory_space<vmem>>, vector<8x768xf32>,
      %broadcast_in_dim3A_60 = arith.constant 0.000000e+00 : f32
      %broadcast_in_dim3A_61 = vector.broadcast %broadcast_in_dim3A_60 : f32 to vector<8x768xf32>
      %swap3A_62 = arith.constant 0 : index
      %swap3A_63 = arith.constant 0 : index
      %swap3A_64 = vector.load %arg6[%swap3A_62, %swap3A_63] : memref<8x768xf32, #tpu.memory_space<vmem>>, vector<8x768xf32>
      tpu.vector_store %arg6[%swap3A_62, %swap3A_63], %broadcast_in_dim3A_61 {strides = array<i32>} : memref<8x768xf32, #tpu.memory_space<vmem>>, vector<8x768xf32>,
    } else {
    }
    %get3A = arith.constant 0 : index
    %get3A_2 = arith.constant 0 : index
    %get3A_3 = arith.constant 0 : index
    %get3A_4 = vector.load %arg1[%get3A, %get3A_2, %get3A_3] : memref<1x8x3072xf32, #tpu.memory_space<vmem>>, vector<1x8x3072xf32>
    %get3A_5 = vector.shape_cast %get3A_4 : vector<1x8x3072xf32> to vector<8x3072xf32>
    %get3A_6 = arith.constant 0 : index
    %get3A_7 = arith.constant 0 : index
    %get3A_8 = vector.load %arg5[%get3A_6, %get3A_7] : memref<8x768xf32, #tpu.memory_space<vmem>>, vector<8x768xf32>
    %get3A_9 = arith.constant 0 : index
    %get3A_10 = arith.constant 0 : index
    %get3A_11 = vector.load %arg2[%get3A_9, %get3A_10] : memref<768x3072xf32, #tpu.memory_space<vmem>>, vector<768x3072xf32>
    %dot_general3A = arith.constant dense<0.000000e+00> : vector<8x3072xf32>
    %dot_general3A_12 = tpu.matmul %get3A_8, %get3A_11, %dot_general3A {dimension_numbers = #tpu.dot_dimension_numbers<[1], [0], [0], [1], [0, 0, 1, 1], [], []>, transpose_lhs_hint = false} : vector<8x768xf32>, vector<768x3072xf32>, vector<8x3072xf32> -> vector<8x3072xf32>
    %add3A = arith.addf %get3A_5, %dot_general3A_12 : vector<8x3072xf32>
    %slice3A = vector.extract_strided_slice %add3A {offsets = [0, 0], sizes = [8, 768], strides = [1, 1]} : vector<8x3072xf32> to vector<8x768xf32>
    %logistic3A = arith.negf %slice3A : vector<8x768xf32>
    %logistic3A_13 = math.exp %logistic3A : vector<8x768xf32>
    %logistic3A_14 = arith.constant 1.000000e+00 : f32
    %logistic3A_15 = vector.broadcast %logistic3A_14 : f32 to vector<8x768xf32>
    %logistic3A_16 = arith.addf %logistic3A_15, %logistic3A_13 : vector<8x768xf32>
    %logistic3A_17 = arith.divf %logistic3A_15, %logistic3A_16 : vector<8x768xf32>
    %slice3A_18 = vector.extract_strided_slice %add3A {offsets = [0, 768], sizes = [8, 768], strides = [1, 1]} : vector<8x3072xf32> to vector<8x768xf32>
    %logistic3A_19 = arith.negf %slice3A_18 : vector<8x768xf32>
    %logistic3A_20 = math.exp %logistic3A_19 : vector<8x768xf32>
    %logistic3A_21 = arith.constant 1.000000e+00 : f32
    %logistic3A_22 = vector.broadcast %logistic3A_21 : f32 to vector<8x768xf32>
    %logistic3A_23 = arith.addf %logistic3A_22, %logistic3A_20 : vector<8x768xf32>
    %logistic3A_24 = arith.divf %logistic3A_22, %logistic3A_23 : vector<8x768xf32>
    %slice3A_25 = vector.extract_strided_slice %add3A {offsets = [0, 1536], sizes = [8, 768], strides = [1, 1]} : vector<8x3072xf32> to vector<8x768xf32>
    %tanh3A = math.tanh %slice3A_25 : vector<8x768xf32>
    %slice3A_26 = vector.extract_strided_slice %add3A {offsets = [0, 2304], sizes = [8, 768], strides = [1, 1]} : vector<8x3072xf32> to vector<8x768xf32>
    %logistic3A_27 = arith.negf %slice3A_26 : vector<8x768xf32>
    %logistic3A_28 = math.exp %logistic3A_27 : vector<8x768xf32>
    %logistic3A_29 = arith.constant 1.000000e+00 : f32
    %logistic3A_30 = vector.broadcast %logistic3A_29 : f32 to vector<8x768xf32>
    %logistic3A_31 = arith.addf %logistic3A_30, %logistic3A_28 : vector<8x768xf32>
    %logistic3A_32 = arith.divf %logistic3A_30, %logistic3A_31 : vector<8x768xf32>
    %get3A_33 = arith.constant 0 : index
    %get3A_34 = arith.constant 0 : index
    %get3A_35 = vector.load %arg6[%get3A_33, %get3A_34] : memref<8x768xf32, #tpu.memory_space<vmem>>, vector<8x768xf32>
    %mul3A = arith.mulf %logistic3A_24, %get3A_35 : vector<8x768xf32>
    %mul3A_36 = arith.mulf %logistic3A_17, %tanh3A : vector<8x768xf32>
    %add3A_37 = arith.addf %mul3A, %mul3A_36 : vector<8x768xf32>
    %tanh3A_38 = math.tanh %add3A_37 : vector<8x768xf32>
    %mul3A_39 = arith.mulf %logistic3A_32, %tanh3A_38 : vector<8x768xf32>
    %swap3A = arith.constant 0 : index
    %swap3A_40 = arith.constant 0 : index
    %swap3A_41 = vector.load %arg5[%swap3A, %swap3A_40] : memref<8x768xf32, #tpu.memory_space<vmem>>, vector<8x768xf32>
    tpu.vector_store %arg5[%swap3A, %swap3A_40], %mul3A_39 {strides = array<i32>} : memref<8x768xf32, #tpu.memory_space<vmem>>, vector<8x768xf32>,
    %swap3A_42 = arith.constant 0 : index
    %swap3A_43 = arith.constant 0 : index
    %swap3A_44 = vector.load %arg6[%swap3A_42, %swap3A_43] : memref<8x768xf32, #tpu.memory_space<vmem>>, vector<8x768xf32>
    tpu.vector_store %arg6[%swap3A_42, %swap3A_43], %add3A_37 {strides = array<i32>} : memref<8x768xf32, #tpu.memory_space<vmem>>, vector<8x768xf32>,
    %swap3A_45 = arith.constant 0 : index
    %swap3A_46 = arith.constant 0 : index
    %swap3A_47 = arith.constant 0 : index
    %swap3A_48 = vector.load %arg3[%swap3A_45, %swap3A_46, %swap3A_47] : memref<1x8x768xf32, #tpu.memory_space<vmem>>, vector<1x8x768xf32>
    %swap3A_49 = vector.shape_cast %swap3A_48 : vector<1x8x768xf32> to vector<8x768xf32>
    %swap3A_50 = vector.shape_cast %mul3A_39 : vector<8x768xf32> to vector<1x8x768xf32>
    tpu.vector_store %arg3[%swap3A_45, %swap3A_46, %swap3A_47], %swap3A_50 {strides = array<i32>} : memref<1x8x768xf32, #tpu.memory_space<vmem>>, vector<1x8x768xf32>,
    %eq3A_51 = arith.constant 255 : i32
    %eq3A_52 = arith.cmpi eq, %arg0, %eq3A_51 : i32
    %convert_element_type3A_53 = arith.extui %eq3A_52 : i1 to i32
    %cond3A_54 = arith.constant 0 : i32
    %cond3A_55 = arith.cmpi ne, %convert_element_type3A_53, %cond3A_54 : i32
    scf.if %cond3A_55 {
      %swap3A_56 = arith.constant 0 : index
      %swap3A_57 = arith.constant 0 : index
      %swap3A_58 = vector.load %arg4[%swap3A_56, %swap3A_57] : memref<8x768xf32, #tpu.memory_space<vmem>>, vector<8x768xf32>
      tpu.vector_store %arg4[%swap3A_56, %swap3A_57], %add3A_37 {strides = array<i32>} : memref<8x768xf32, #tpu.memory_space<vmem>>, vector<8x768xf32>,
    } else {
    }
    return
  }
  func.func @transform_0(%arg0: i32) -> (i32, i32, i32) {
    %c0_i32 = arith.constant 0 : i32
    %c0_i32_0 = arith.constant 0 : i32
    %c0_i32_1 = arith.constant 0 : i32
    return %arg0, %c0_i32, %c0_i32_0 : i32, i32, i32
  }
  func.func @transform_1(%arg0: i32) -> (i32, i32) {
    %c0_i32 = arith.constant 0 : i32
    %c0_i32_0 = arith.constant 0 : i32
    %c0_i32_1 = arith.constant 0 : i32
    return %c0_i32, %c0_i32_0 : i32, i32
  }
  func.func @transform_2(%arg0: i32) -> (i32, i32, i32) {
    %c0_i32 = arith.constant 0 : i32
    %c0_i32_0 = arith.constant 0 : i32
    %c0_i32_1 = arith.constant 0 : i32
    return %arg0, %c0_i32, %c0_i32_0 : i32, i32, i32
  }
  func.func @transform_3(%arg0: i32) -> (i32, i32) {
    %c0_i32 = arith.constant 0 : i32
    %c0_i32_0 = arith.constant 0 : i32
    %c0_i32_1 = arith.constant 0 : i32
    return %c0_i32, %c0_i32_0 : i32, i32
  }
}

module attributes {stable_mosaic.version = 14 : i64} {
  func.func @_mm8_body(%arg0: i32, %arg1: memref<1x8x768xf32, #tpu.memory_space<vmem>>, %arg2: memref<768x3072xf32, #tpu.memory_space<vmem>>, %arg3: memref<1x3072xf32, #tpu.memory_space<vmem>>, %arg4: memref<1x8x3072xf32, #tpu.memory_space<vmem>>) attributes {dimension_semantics = [#tpu.dimension_semantics<arbitrary>], iteration_bounds = array<i64: 256>, scalar_prefetch = 0 : i64, scratch_operands = 0 : i64, tpu.core_type = #tpu.core_type<tc>, window_params = [{transform_indices = @transform_0, window_bounds = array<i64: 1, 8, 768>}, {pipeline_mode = #tpu.pipeline_mode<synchronous>, transform_indices = @transform_1, window_bounds = array<i64: 768, 3072>}, {pipeline_mode = #tpu.pipeline_mode<synchronous>, transform_indices = @transform_2, window_bounds = array<i64: 1, 3072>}, {transform_indices = @transform_3, window_bounds = array<i64: 1, 8, 3072>}]} {
    %get3A = arith.constant 0 : index
    %get3A_0 = arith.constant 0 : index
    %get3A_1 = arith.constant 0 : index
    %get3A_2 = vector.load %arg1[%get3A, %get3A_0, %get3A_1] : memref<1x8x768xf32, #tpu.memory_space<vmem>>, vector<1x8x768xf32>
    %get3A_3 = vector.shape_cast %get3A_2 : vector<1x8x768xf32> to vector<8x768xf32>
    %get3A_4 = arith.constant 0 : index
    %get3A_5 = arith.constant 0 : index
    %get3A_6 = vector.load %arg2[%get3A_4, %get3A_5] : memref<768x3072xf32, #tpu.memory_space<vmem>>, vector<768x3072xf32>
    %dot_general3A = arith.constant dense<0.000000e+00> : vector<8x3072xf32>
    %dot_general3A_7 = tpu.matmul %get3A_3, %get3A_6, %dot_general3A {dimension_numbers = #tpu.dot_dimension_numbers<[1], [0], [0], [1], [0, 0, 1, 1], [], []>, transpose_lhs_hint = false} : vector<8x768xf32>, vector<768x3072xf32>, vector<8x3072xf32> -> vector<8x3072xf32>
    %get3A_8 = arith.constant 0 : index
    %get3A_9 = arith.constant 0 : index
    %get3A_10 = vector.load %arg3[%get3A_8, %get3A_9] : memref<1x3072xf32, #tpu.memory_space<vmem>>, vector<1x3072xf32>
    %add3A = vector.broadcast %get3A_10 : vector<1x3072xf32> to vector<8x3072xf32>
    %add3A_11 = arith.addf %dot_general3A_7, %add3A : vector<8x3072xf32>
    %swap3A = arith.constant 0 : index
    %swap3A_12 = arith.constant 0 : index
    %swap3A_13 = arith.constant 0 : index
    %swap3A_14 = vector.load %arg4[%swap3A, %swap3A_12, %swap3A_13] : memref<1x8x3072xf32, #tpu.memory_space<vmem>>, vector<1x8x3072xf32>
    %swap3A_15 = vector.shape_cast %swap3A_14 : vector<1x8x3072xf32> to vector<8x3072xf32>
    %swap3A_16 = vector.shape_cast %add3A_11 : vector<8x3072xf32> to vector<1x8x3072xf32>
    tpu.vector_store %arg4[%swap3A, %swap3A_12, %swap3A_13], %swap3A_16 {strides = array<i32>} : memref<1x8x3072xf32, #tpu.memory_space<vmem>>, vector<1x8x3072xf32>,
    return
  }
  func.func @transform_0(%arg0: i32) -> (i32, i32, i32) {
    %c0_i32 = arith.constant 0 : i32
    %c0_i32_0 = arith.constant 0 : i32
    %c0_i32_1 = arith.constant 0 : i32
    return %arg0, %c0_i32, %c0_i32_0 : i32, i32, i32
  }
  func.func @transform_1(%arg0: i32) -> (i32, i32) {
    %c0_i32 = arith.constant 0 : i32
    %c0_i32_0 = arith.constant 0 : i32
    %c0_i32_1 = arith.constant 0 : i32
    return %c0_i32, %c0_i32_0 : i32, i32
  }
  func.func @transform_2(%arg0: i32) -> (i32, i32) {
    %c0_i32 = arith.constant 0 : i32
    %c0_i32_0 = arith.constant 0 : i32
    %c0_i32_1 = arith.constant 0 : i32
    return %c0_i32, %c0_i32_0 : i32, i32
  }
  func.func @transform_3(%arg0: i32) -> (i32, i32, i32) {
    %c0_i32 = arith.constant 0 : i32
    %c0_i32_0 = arith.constant 0 : i32
    %c0_i32_1 = arith.constant 0 : i32
    return %arg0, %c0_i32, %c0_i32_0 : i32, i32, i32
  }
}

module attributes {stable_mosaic.version = 14 : i64} {
  func.func @_lstm_body(%arg0: i32, %arg1: memref<1x8x3072xf32, #tpu.memory_space<vmem>>, %arg2: memref<768x3072xf32, #tpu.memory_space<vmem>>, %arg3: memref<1x8x768xf32, #tpu.memory_space<vmem>>, %arg4: memref<8x768xf32, #tpu.memory_space<vmem>>, %arg5: memref<8x768xf32, #tpu.memory_space<vmem>>, %arg6: memref<8x768xf32, #tpu.memory_space<vmem>>) attributes {dimension_semantics = [#tpu.dimension_semantics<arbitrary>], iteration_bounds = array<i64: 256>, scalar_prefetch = 0 : i64, scratch_operands = 2 : i64, tpu.core_type = #tpu.core_type<tc>, window_params = [{transform_indices = @transform_0, window_bounds = array<i64: 1, 8, 3072>}, {pipeline_mode = #tpu.pipeline_mode<synchronous>, transform_indices = @transform_1, window_bounds = array<i64: 768, 3072>}, {transform_indices = @transform_2, window_bounds = array<i64: 1, 8, 768>}, {pipeline_mode = #tpu.pipeline_mode<synchronous>, transform_indices = @transform_3, window_bounds = array<i64: 8, 768>}]} {
    %eq3A = arith.constant 0 : i32
    %eq3A_0 = arith.cmpi eq, %arg0, %eq3A : i32
    %convert_element_type3A = arith.extui %eq3A_0 : i1 to i32
    %cond3A = arith.constant 0 : i32
    %cond3A_1 = arith.cmpi ne, %convert_element_type3A, %cond3A : i32
    scf.if %cond3A_1 {
      %broadcast_in_dim3A = arith.constant 0.000000e+00 : f32
      %broadcast_in_dim3A_56 = vector.broadcast %broadcast_in_dim3A : f32 to vector<8x768xf32>
      %swap3A_57 = arith.constant 0 : index
      %swap3A_58 = arith.constant 0 : index
      %swap3A_59 = vector.load %arg5[%swap3A_57, %swap3A_58] : memref<8x768xf32, #tpu.memory_space<vmem>>, vector<8x768xf32>
      tpu.vector_store %arg5[%swap3A_57, %swap3A_58], %broadcast_in_dim3A_56 {strides = array<i32>} : memref<8x768xf32, #tpu.memory_space<vmem>>, vector<8x768xf32>,
      %broadcast_in_dim3A_60 = arith.constant 0.000000e+00 : f32
      %broadcast_in_dim3A_61 = vector.broadcast %broadcast_in_dim3A_60 : f32 to vector<8x768xf32>
      %swap3A_62 = arith.constant 0 : index
      %swap3A_63 = arith.constant 0 : index
      %swap3A_64 = vector.load %arg6[%swap3A_62, %swap3A_63] : memref<8x768xf32, #tpu.memory_space<vmem>>, vector<8x768xf32>
      tpu.vector_store %arg6[%swap3A_62, %swap3A_63], %broadcast_in_dim3A_61 {strides = array<i32>} : memref<8x768xf32, #tpu.memory_space<vmem>>, vector<8x768xf32>,
    } else {
    }
    %get3A = arith.constant 0 : index
    %get3A_2 = arith.constant 0 : index
    %get3A_3 = arith.constant 0 : index
    %get3A_4 = vector.load %arg1[%get3A, %get3A_2, %get3A_3] : memref<1x8x3072xf32, #tpu.memory_space<vmem>>, vector<1x8x3072xf32>
    %get3A_5 = vector.shape_cast %get3A_4 : vector<1x8x3072xf32> to vector<8x3072xf32>
    %get3A_6 = arith.constant 0 : index
    %get3A_7 = arith.constant 0 : index
    %get3A_8 = vector.load %arg5[%get3A_6, %get3A_7] : memref<8x768xf32, #tpu.memory_space<vmem>>, vector<8x768xf32>
    %get3A_9 = arith.constant 0 : index
    %get3A_10 = arith.constant 0 : index
    %get3A_11 = vector.load %arg2[%get3A_9, %get3A_10] : memref<768x3072xf32, #tpu.memory_space<vmem>>, vector<768x3072xf32>
    %dot_general3A = arith.constant dense<0.000000e+00> : vector<8x3072xf32>
    %dot_general3A_12 = tpu.matmul %get3A_8, %get3A_11, %dot_general3A {dimension_numbers = #tpu.dot_dimension_numbers<[1], [0], [0], [1], [0, 0, 1, 1], [], []>, transpose_lhs_hint = false} : vector<8x768xf32>, vector<768x3072xf32>, vector<8x3072xf32> -> vector<8x3072xf32>
    %add3A = arith.addf %get3A_5, %dot_general3A_12 : vector<8x3072xf32>
    %slice3A = vector.extract_strided_slice %add3A {offsets = [0, 0], sizes = [8, 768], strides = [1, 1]} : vector<8x3072xf32> to vector<8x768xf32>
    %logistic3A = arith.negf %slice3A : vector<8x768xf32>
    %logistic3A_13 = math.exp %logistic3A : vector<8x768xf32>
    %logistic3A_14 = arith.constant 1.000000e+00 : f32
    %logistic3A_15 = vector.broadcast %logistic3A_14 : f32 to vector<8x768xf32>
    %logistic3A_16 = arith.addf %logistic3A_15, %logistic3A_13 : vector<8x768xf32>
    %logistic3A_17 = arith.divf %logistic3A_15, %logistic3A_16 : vector<8x768xf32>
    %slice3A_18 = vector.extract_strided_slice %add3A {offsets = [0, 768], sizes = [8, 768], strides = [1, 1]} : vector<8x3072xf32> to vector<8x768xf32>
    %logistic3A_19 = arith.negf %slice3A_18 : vector<8x768xf32>
    %logistic3A_20 = math.exp %logistic3A_19 : vector<8x768xf32>
    %logistic3A_21 = arith.constant 1.000000e+00 : f32
    %logistic3A_22 = vector.broadcast %logistic3A_21 : f32 to vector<8x768xf32>
    %logistic3A_23 = arith.addf %logistic3A_22, %logistic3A_20 : vector<8x768xf32>
    %logistic3A_24 = arith.divf %logistic3A_22, %logistic3A_23 : vector<8x768xf32>
    %slice3A_25 = vector.extract_strided_slice %add3A {offsets = [0, 1536], sizes = [8, 768], strides = [1, 1]} : vector<8x3072xf32> to vector<8x768xf32>
    %tanh3A = math.tanh %slice3A_25 : vector<8x768xf32>
    %slice3A_26 = vector.extract_strided_slice %add3A {offsets = [0, 2304], sizes = [8, 768], strides = [1, 1]} : vector<8x3072xf32> to vector<8x768xf32>
    %logistic3A_27 = arith.negf %slice3A_26 : vector<8x768xf32>
    %logistic3A_28 = math.exp %logistic3A_27 : vector<8x768xf32>
    %logistic3A_29 = arith.constant 1.000000e+00 : f32
    %logistic3A_30 = vector.broadcast %logistic3A_29 : f32 to vector<8x768xf32>
    %logistic3A_31 = arith.addf %logistic3A_30, %logistic3A_28 : vector<8x768xf32>
    %logistic3A_32 = arith.divf %logistic3A_30, %logistic3A_31 : vector<8x768xf32>
    %get3A_33 = arith.constant 0 : index
    %get3A_34 = arith.constant 0 : index
    %get3A_35 = vector.load %arg6[%get3A_33, %get3A_34] : memref<8x768xf32, #tpu.memory_space<vmem>>, vector<8x768xf32>
    %mul3A = arith.mulf %logistic3A_24, %get3A_35 : vector<8x768xf32>
    %mul3A_36 = arith.mulf %logistic3A_17, %tanh3A : vector<8x768xf32>
    %add3A_37 = arith.addf %mul3A, %mul3A_36 : vector<8x768xf32>
    %tanh3A_38 = math.tanh %add3A_37 : vector<8x768xf32>
    %mul3A_39 = arith.mulf %logistic3A_32, %tanh3A_38 : vector<8x768xf32>
    %swap3A = arith.constant 0 : index
    %swap3A_40 = arith.constant 0 : index
    %swap3A_41 = vector.load %arg5[%swap3A, %swap3A_40] : memref<8x768xf32, #tpu.memory_space<vmem>>, vector<8x768xf32>
    tpu.vector_store %arg5[%swap3A, %swap3A_40], %mul3A_39 {strides = array<i32>} : memref<8x768xf32, #tpu.memory_space<vmem>>, vector<8x768xf32>,
    %swap3A_42 = arith.constant 0 : index
    %swap3A_43 = arith.constant 0 : index
    %swap3A_44 = vector.load %arg6[%swap3A_42, %swap3A_43] : memref<8x768xf32, #tpu.memory_space<vmem>>, vector<8x768xf32>
    tpu.vector_store %arg6[%swap3A_42, %swap3A_43], %add3A_37 {strides = array<i32>} : memref<8x768xf32, #tpu.memory_space<vmem>>, vector<8x768xf32>,
    %swap3A_45 = arith.constant 0 : index
    %swap3A_46 = arith.constant 0 : index
    %swap3A_47 = arith.constant 0 : index
    %swap3A_48 = vector.load %arg3[%swap3A_45, %swap3A_46, %swap3A_47] : memref<1x8x768xf32, #tpu.memory_space<vmem>>, vector<1x8x768xf32>
    %swap3A_49 = vector.shape_cast %swap3A_48 : vector<1x8x768xf32> to vector<8x768xf32>
    %swap3A_50 = vector.shape_cast %mul3A_39 : vector<8x768xf32> to vector<1x8x768xf32>
    tpu.vector_store %arg3[%swap3A_45, %swap3A_46, %swap3A_47], %swap3A_50 {strides = array<i32>} : memref<1x8x768xf32, #tpu.memory_space<vmem>>, vector<1x8x768xf32>,
    %eq3A_51 = arith.constant 255 : i32
    %eq3A_52 = arith.cmpi eq, %arg0, %eq3A_51 : i32
    %convert_element_type3A_53 = arith.extui %eq3A_52 : i1 to i32
    %cond3A_54 = arith.constant 0 : i32
    %cond3A_55 = arith.cmpi ne, %convert_element_type3A_53, %cond3A_54 : i32
    scf.if %cond3A_55 {
      %swap3A_56 = arith.constant 0 : index
      %swap3A_57 = arith.constant 0 : index
      %swap3A_58 = vector.load %arg4[%swap3A_56, %swap3A_57] : memref<8x768xf32, #tpu.memory_space<vmem>>, vector<8x768xf32>
      tpu.vector_store %arg4[%swap3A_56, %swap3A_57], %add3A_37 {strides = array<i32>} : memref<8x768xf32, #tpu.memory_space<vmem>>, vector<8x768xf32>,
    } else {
    }
    return
  }
  func.func @transform_0(%arg0: i32) -> (i32, i32, i32) {
    %c0_i32 = arith.constant 0 : i32
    %c0_i32_0 = arith.constant 0 : i32
    %c0_i32_1 = arith.constant 0 : i32
    return %arg0, %c0_i32, %c0_i32_0 : i32, i32, i32
  }
  func.func @transform_1(%arg0: i32) -> (i32, i32) {
    %c0_i32 = arith.constant 0 : i32
    %c0_i32_0 = arith.constant 0 : i32
    %c0_i32_1 = arith.constant 0 : i32
    return %c0_i32, %c0_i32_0 : i32, i32
  }
  func.func @transform_2(%arg0: i32) -> (i32, i32, i32) {
    %c0_i32 = arith.constant 0 : i32
    %c0_i32_0 = arith.constant 0 : i32
    %c0_i32_1 = arith.constant 0 : i32
    return %arg0, %c0_i32, %c0_i32_0 : i32, i32, i32
  }
  func.func @transform_3(%arg0: i32) -> (i32, i32) {
    %c0_i32 = arith.constant 0 : i32
    %c0_i32_0 = arith.constant 0 : i32
    %c0_i32_1 = arith.constant 0 : i32
    return %c0_i32, %c0_i32_0 : i32, i32
  }
}

module attributes {stable_mosaic.version = 14 : i64} {
  func.func @_dec_body(%arg0: i32, %arg1: i32, %arg2: memref<8x768xf32, #tpu.memory_space<vmem>>, %arg3: memref<8x768xf32, #tpu.memory_space<vmem>>, %arg4: memref<8x768xf32, #tpu.memory_space<vmem>>, %arg5: memref<512x3072xf32, #tpu.memory_space<vmem>>, %arg6: memref<768x3072xf32, #tpu.memory_space<vmem>>, %arg7: memref<1x3072xf32, #tpu.memory_space<vmem>>, %arg8: memref<1x3072xf32, #tpu.memory_space<vmem>>, %arg9: memref<768x768xf32, #tpu.memory_space<vmem>>, %arg10: memref<768x768xf32, #tpu.memory_space<vmem>>, %arg11: memref<768x768xf32, #tpu.memory_space<vmem>>, %arg12: memref<768x768xf32, #tpu.memory_space<vmem>>, %arg13: memref<1x768xf32, #tpu.memory_space<vmem>>, %arg14: memref<1x768xf32, #tpu.memory_space<vmem>>, %arg15: memref<1x768xf32, #tpu.memory_space<vmem>>, %arg16: memref<1x768xf32, #tpu.memory_space<vmem>>, %arg17: memref<768x3200xf32, #tpu.memory_space<vmem>>, %arg18: memref<1x3200xf32, #tpu.memory_space<vmem>>, %arg19: memref<16000x512xf32, #tpu.memory_space<any>>, %arg20: memref<1x8x3200xf32, #tpu.memory_space<vmem>>, %arg21: memref<8x17xi32, #tpu.memory_space<smem>>, %arg22: memref<8x768xf32, #tpu.memory_space<vmem>>, %arg23: memref<8x768xf32, #tpu.memory_space<vmem>>, %arg24: memref<8x768xf32, #tpu.memory_space<vmem>>, %arg25: memref<8x512xf32, #tpu.memory_space<vmem>>, %arg26: memref<8x768xf32, #tpu.memory_space<vmem>>, %arg27: memref<8x768xf32, #tpu.memory_space<vmem>>, %arg28: memref<8x768xf32, #tpu.memory_space<vmem>>, %arg29: memref<8x768xf32, #tpu.memory_space<vmem>>, %arg30: memref<8x128xf32, #tpu.memory_space<vmem>>, %arg31: memref<8x128xi32, #tpu.memory_space<vmem>>, %arg32: memref<8x3072xf32, #tpu.memory_space<vmem>>, %arg33: memref<8x1xi32, #tpu.memory_space<vmem>>, %arg34: memref<8x1xi32, #tpu.memory_space<smem>>, %arg35: memref<!tpu.dma_semaphore, #tpu.memory_space<semaphore_mem>>, %arg36: memref<!tpu.dma_semaphore, #tpu.memory_space<semaphore_mem>>) attributes {dimension_semantics = [#tpu.dimension_semantics<arbitrary>, #tpu.dimension_semantics<arbitrary>], iteration_bounds = array<i64: 16, 5>, scalar_prefetch = 0 : i64, scratch_operands = 15 : i64, tpu.core_type = #tpu.core_type<tc>, window_params = [{pipeline_mode = #tpu.pipeline_mode<synchronous>, transform_indices = @transform_0, window_bounds = array<i64: 8, 768>}, {pipeline_mode = #tpu.pipeline_mode<synchronous>, transform_indices = @transform_1, window_bounds = array<i64: 8, 768>}, {pipeline_mode = #tpu.pipeline_mode<synchronous>, transform_indices = @transform_2, window_bounds = array<i64: 8, 768>}, {pipeline_mode = #tpu.pipeline_mode<synchronous>, transform_indices = @transform_3, window_bounds = array<i64: 512, 3072>}, {pipeline_mode = #tpu.pipeline_mode<synchronous>, transform_indices = @transform_4, window_bounds = array<i64: 768, 3072>}, {pipeline_mode = #tpu.pipeline_mode<synchronous>, transform_indices = @transform_5, window_bounds = array<i64: 1, 3072>}, {pipeline_mode = #tpu.pipeline_mode<synchronous>, transform_indices = @transform_6, window_bounds = array<i64: 1, 3072>}, {pipeline_mode = #tpu.pipeline_mode<synchronous>, transform_indices = @transform_7, window_bounds = array<i64: 768, 768>}, {pipeline_mode = #tpu.pipeline_mode<synchronous>, transform_indices = @transform_8, window_bounds = array<i64: 768, 768>}, {pipeline_mode = #tpu.pipeline_mode<synchronous>, transform_indices = @transform_9, window_bounds = array<i64: 768, 768>}, {pipeline_mode = #tpu.pipeline_mode<synchronous>, transform_indices = @transform_10, window_bounds = array<i64: 768, 768>}, {pipeline_mode = #tpu.pipeline_mode<synchronous>, transform_indices = @transform_11, window_bounds = array<i64: 1, 768>}, {pipeline_mode = #tpu.pipeline_mode<synchronous>, transform_indices = @transform_12, window_bounds = array<i64: 1, 768>}, {pipeline_mode = #tpu.pipeline_mode<synchronous>, transform_indices = @transform_13, window_bounds = array<i64: 1, 768>}, {pipeline_mode = #tpu.pipeline_mode<synchronous>, transform_indices = @transform_14, window_bounds = array<i64: 1, 768>}, {transform_indices = @transform_15, window_bounds = array<i64: 768, 3200>}, {transform_indices = @transform_16, window_bounds = array<i64: 1, 3200>}, {}, {transform_indices = @transform_18, window_bounds = array<i64: 1, 8, 3200>}, {transform_indices = @transform_19, window_bounds = array<i64: 8, 17>}]} {
    %eq3A = arith.constant 0 : i32
    %eq3A_0 = arith.cmpi eq, %arg1, %eq3A : i32
    %convert_element_type3A = arith.extui %eq3A_0 : i1 to i32
    %cond3A = arith.constant 0 : i32
    %cond3A_1 = arith.cmpi ne, %convert_element_type3A, %cond3A : i32
    scf.if %cond3A_1 {
      %eq3A_52 = arith.constant 0 : i32
      %eq3A_53 = arith.cmpi eq, %arg0, %eq3A_52 : i32
      %convert_element_type3A_54 = arith.extui %eq3A_53 : i1 to i32
      %cond3A_55 = arith.constant 0 : i32
      %cond3A_56 = arith.cmpi ne, %convert_element_type3A_54, %cond3A_55 : i32
      scf.if %cond3A_56 {
        %get3A_242 = arith.constant 0 : index
        %get3A_243 = arith.constant 0 : index
        %get3A_244 = vector.load %arg3[%get3A_242, %get3A_243] : memref<8x768xf32, #tpu.memory_space<vmem>>, vector<8x768xf32>
        %swap3A_245 = arith.constant 0 : index
        %swap3A_246 = arith.constant 0 : index
        %swap3A_247 = vector.load %arg22[%swap3A_245, %swap3A_246] : memref<8x768xf32, #tpu.memory_space<vmem>>, vector<8x768xf32>
        tpu.vector_store %arg22[%swap3A_245, %swap3A_246], %get3A_244 {strides = array<i32>} : memref<8x768xf32, #tpu.memory_space<vmem>>, vector<8x768xf32>,
        %get3A_248 = arith.constant 0 : index
        %get3A_249 = arith.constant 0 : index
        %get3A_250 = vector.load %arg4[%get3A_248, %get3A_249] : memref<8x768xf32, #tpu.memory_space<vmem>>, vector<8x768xf32>
        %swap3A_251 = arith.constant 0 : index
        %swap3A_252 = arith.constant 0 : index
        %swap3A_253 = vector.load %arg23[%swap3A_251, %swap3A_252] : memref<8x768xf32, #tpu.memory_space<vmem>>, vector<8x768xf32>
        tpu.vector_store %arg23[%swap3A_251, %swap3A_252], %get3A_250 {strides = array<i32>} : memref<8x768xf32, #tpu.memory_space<vmem>>, vector<8x768xf32>,
        %get3A_254 = arith.constant 0 : index
        %get3A_255 = arith.constant 0 : index
        %get3A_256 = vector.load %arg2[%get3A_254, %get3A_255] : memref<8x768xf32, #tpu.memory_space<vmem>>, vector<8x768xf32>
        %get3A_257 = arith.constant 0 : index
        %get3A_258 = arith.constant 0 : index
        %get3A_259 = vector.load %arg10[%get3A_257, %get3A_258] : memref<768x768xf32, #tpu.memory_space<vmem>>, vector<768x768xf32>
        %dot_general3A_260 = arith.constant dense<0.000000e+00> : vector<8x768xf32>
        %dot_general3A_261 = tpu.matmul %get3A_256, %get3A_259, %dot_general3A_260 {dimension_numbers = #tpu.dot_dimension_numbers<[1], [0], [0], [1], [0, 0, 1, 1], [], []>, transpose_lhs_hint = false} : vector<8x768xf32>, vector<768x768xf32>, vector<8x768xf32> -> vector<8x768xf32>
        %get3A_262 = arith.constant 0 : index
        %get3A_263 = arith.constant 0 : index
        %get3A_264 = vector.load %arg14[%get3A_262, %get3A_263] : memref<1x768xf32, #tpu.memory_space<vmem>>, vector<1x768xf32>
        %add3A_265 = vector.broadcast %get3A_264 : vector<1x768xf32> to vector<8x768xf32>
        %add3A_266 = arith.addf %dot_general3A_261, %add3A_265 : vector<8x768xf32>
        %swap3A_267 = arith.constant 0 : index
        %swap3A_268 = arith.constant 0 : index
        %swap3A_269 = vector.load %arg26[%swap3A_267, %swap3A_268] : memref<8x768xf32, #tpu.memory_space<vmem>>, vector<8x768xf32>
        tpu.vector_store %arg26[%swap3A_267, %swap3A_268], %add3A_266 {strides = array<i32>} : memref<8x768xf32, #tpu.memory_space<vmem>>, vector<8x768xf32>,
        %get3A_270 = arith.constant 0 : index
        %get3A_271 = arith.constant 0 : index
        %get3A_272 = vector.load %arg3[%get3A_270, %get3A_271] : memref<8x768xf32, #tpu.memory_space<vmem>>, vector<8x768xf32>
        %get3A_273 = arith.constant 0 : index
        %get3A_274 = arith.constant 0 : index
        %get3A_275 = vector.load %arg10[%get3A_273, %get3A_274] : memref<768x768xf32, #tpu.memory_space<vmem>>, vector<768x768xf32>
        %dot_general3A_276 = arith.constant dense<0.000000e+00> : vector<8x768xf32>
        %dot_general3A_277 = tpu.matmul %get3A_272, %get3A_275, %dot_general3A_276 {dimension_numbers = #tpu.dot_dimension_numbers<[1], [0], [0], [1], [0, 0, 1, 1], [], []>, transpose_lhs_hint = false} : vector<8x768xf32>, vector<768x768xf32>, vector<8x768xf32> -> vector<8x768xf32>
        %get3A_278 = arith.constant 0 : index
        %get3A_279 = arith.constant 0 : index
        %get3A_280 = vector.load %arg14[%get3A_278, %get3A_279] : memref<1x768xf32, #tpu.memory_space<vmem>>, vector<1x768xf32>
        %add3A_281 = vector.broadcast %get3A_280 : vector<1x768xf32> to vector<8x768xf32>
        %add3A_282 = arith.addf %dot_general3A_277, %add3A_281 : vector<8x768xf32>
        %swap3A_283 = arith.constant 0 : index
        %swap3A_284 = arith.constant 0 : index
        %swap3A_285 = vector.load %arg27[%swap3A_283, %swap3A_284] : memref<8x768xf32, #tpu.memory_space<vmem>>, vector<8x768xf32>
        tpu.vector_store %arg27[%swap3A_283, %swap3A_284], %add3A_282 {strides = array<i32>} : memref<8x768xf32, #tpu.memory_space<vmem>>, vector<8x768xf32>,
        %get3A_286 = arith.constant 0 : index
        %get3A_287 = arith.constant 0 : index
        %get3A_288 = vector.load %arg2[%get3A_286, %get3A_287] : memref<8x768xf32, #tpu.memory_space<vmem>>, vector<8x768xf32>
        %get3A_289 = arith.constant 0 : index
        %get3A_290 = arith.constant 0 : index
        %get3A_291 = vector.load %arg11[%get3A_289, %get3A_290] : memref<768x768xf32, #tpu.memory_space<vmem>>, vector<768x768xf32>
        %dot_general3A_292 = arith.constant dense<0.000000e+00> : vector<8x768xf32>
        %dot_general3A_293 = tpu.matmul %get3A_288, %get3A_291, %dot_general3A_292 {dimension_numbers = #tpu.dot_dimension_numbers<[1], [0], [0], [1], [0, 0, 1, 1], [], []>, transpose_lhs_hint = false} : vector<8x768xf32>, vector<768x768xf32>, vector<8x768xf32> -> vector<8x768xf32>
        %get3A_294 = arith.constant 0 : index
        %get3A_295 = arith.constant 0 : index
        %get3A_296 = vector.load %arg15[%get3A_294, %get3A_295] : memref<1x768xf32, #tpu.memory_space<vmem>>, vector<1x768xf32>
        %add3A_297 = vector.broadcast %get3A_296 : vector<1x768xf32> to vector<8x768xf32>
        %add3A_298 = arith.addf %dot_general3A_293, %add3A_297 : vector<8x768xf32>
        %swap3A_299 = arith.constant 0 : index
        %swap3A_300 = arith.constant 0 : index
        %swap3A_301 = vector.load %arg28[%swap3A_299, %swap3A_300] : memref<8x768xf32, #tpu.memory_space<vmem>>, vector<8x768xf32>
        tpu.vector_store %arg28[%swap3A_299, %swap3A_300], %add3A_298 {strides = array<i32>} : memref<8x768xf32, #tpu.memory_space<vmem>>, vector<8x768xf32>,
        %get3A_302 = arith.constant 0 : index
        %get3A_303 = arith.constant 0 : index
        %get3A_304 = vector.load %arg3[%get3A_302, %get3A_303] : memref<8x768xf32, #tpu.memory_space<vmem>>, vector<8x768xf32>
        %get3A_305 = arith.constant 0 : index
        %get3A_306 = arith.constant 0 : index
        %get3A_307 = vector.load %arg11[%get3A_305, %get3A_306] : memref<768x768xf32, #tpu.memory_space<vmem>>, vector<768x768xf32>
        %dot_general3A_308 = arith.constant dense<0.000000e+00> : vector<8x768xf32>
        %dot_general3A_309 = tpu.matmul %get3A_304, %get3A_307, %dot_general3A_308 {dimension_numbers = #tpu.dot_dimension_numbers<[1], [0], [0], [1], [0, 0, 1, 1], [], []>, transpose_lhs_hint = false} : vector<8x768xf32>, vector<768x768xf32>, vector<8x768xf32> -> vector<8x768xf32>
        %get3A_310 = arith.constant 0 : index
        %get3A_311 = arith.constant 0 : index
        %get3A_312 = vector.load %arg15[%get3A_310, %get3A_311] : memref<1x768xf32, #tpu.memory_space<vmem>>, vector<1x768xf32>
        %add3A_313 = vector.broadcast %get3A_312 : vector<1x768xf32> to vector<8x768xf32>
        %add3A_314 = arith.addf %dot_general3A_309, %add3A_313 : vector<8x768xf32>
        %swap3A_315 = arith.constant 0 : index
        %swap3A_316 = arith.constant 0 : index
        %swap3A_317 = vector.load %arg29[%swap3A_315, %swap3A_316] : memref<8x768xf32, #tpu.memory_space<vmem>>, vector<8x768xf32>
        tpu.vector_store %arg29[%swap3A_315, %swap3A_316], %add3A_314 {strides = array<i32>} : memref<8x768xf32, #tpu.memory_space<vmem>>, vector<8x768xf32>,
        %swap3A_318 = arith.constant 1 : i32
        %swap3A_319 = arith.constant 0 : index
        %swap3A_320 = arith.constant 0 : index
        %swap3A_321 = memref.load %arg34[%swap3A_319, %swap3A_320] : memref<8x1xi32, #tpu.memory_space<smem>>
        memref.store %swap3A_318, %arg34[%swap3A_319, %swap3A_320] : memref<8x1xi32, #tpu.memory_space<smem>>
        %swap3A_322 = arith.constant 1 : i32
        %swap3A_323 = arith.constant 1 : index
        %swap3A_324 = arith.constant 0 : index
        %swap3A_325 = memref.load %arg34[%swap3A_323, %swap3A_324] : memref<8x1xi32, #tpu.memory_space<smem>>
        memref.store %swap3A_322, %arg34[%swap3A_323, %swap3A_324] : memref<8x1xi32, #tpu.memory_space<smem>>
        %swap3A_326 = arith.constant 1 : i32
        %swap3A_327 = arith.constant 2 : index
        %swap3A_328 = arith.constant 0 : index
        %swap3A_329 = memref.load %arg34[%swap3A_327, %swap3A_328] : memref<8x1xi32, #tpu.memory_space<smem>>
        memref.store %swap3A_326, %arg34[%swap3A_327, %swap3A_328] : memref<8x1xi32, #tpu.memory_space<smem>>
        %swap3A_330 = arith.constant 1 : i32
        %swap3A_331 = arith.constant 3 : index
        %swap3A_332 = arith.constant 0 : index
        %swap3A_333 = memref.load %arg34[%swap3A_331, %swap3A_332] : memref<8x1xi32, #tpu.memory_space<smem>>
        memref.store %swap3A_330, %arg34[%swap3A_331, %swap3A_332] : memref<8x1xi32, #tpu.memory_space<smem>>
        %swap3A_334 = arith.constant 1 : i32
        %swap3A_335 = arith.constant 4 : index
        %swap3A_336 = arith.constant 0 : index
        %swap3A_337 = memref.load %arg34[%swap3A_335, %swap3A_336] : memref<8x1xi32, #tpu.memory_space<smem>>
        memref.store %swap3A_334, %arg34[%swap3A_335, %swap3A_336] : memref<8x1xi32, #tpu.memory_space<smem>>
        %swap3A_338 = arith.constant 1 : i32
        %swap3A_339 = arith.constant 5 : index
        %swap3A_340 = arith.constant 0 : index
        %swap3A_341 = memref.load %arg34[%swap3A_339, %swap3A_340] : memref<8x1xi32, #tpu.memory_space<smem>>
        memref.store %swap3A_338, %arg34[%swap3A_339, %swap3A_340] : memref<8x1xi32, #tpu.memory_space<smem>>
        %swap3A_342 = arith.constant 1 : i32
        %swap3A_343 = arith.constant 6 : index
        %swap3A_344 = arith.constant 0 : index
        %swap3A_345 = memref.load %arg34[%swap3A_343, %swap3A_344] : memref<8x1xi32, #tpu.memory_space<smem>>
        memref.store %swap3A_342, %arg34[%swap3A_343, %swap3A_344] : memref<8x1xi32, #tpu.memory_space<smem>>
        %swap3A_346 = arith.constant 1 : i32
        %swap3A_347 = arith.constant 7 : index
        %swap3A_348 = arith.constant 0 : index
        %swap3A_349 = memref.load %arg34[%swap3A_347, %swap3A_348] : memref<8x1xi32, #tpu.memory_space<smem>>
        memref.store %swap3A_346, %arg34[%swap3A_347, %swap3A_348] : memref<8x1xi32, #tpu.memory_space<smem>>
        %get3A_350 = arith.constant 0 : index
        %get3A_351 = arith.constant 0 : index
        %get3A_352 = memref.load %arg34[%get3A_350, %get3A_351] : memref<8x1xi32, #tpu.memory_space<smem>>
        %dma_start3A = arith.constant 0 : i32
        %dma_start3A_353 = arith.constant 0 : i32
        %dma_start3A_354 = tpu.memref_slice %arg25[%dma_start3A, %dma_start3A_353] : memref<8x512xf32, #tpu.memory_space<vmem>> -> memref<1x512xf32, #tpu.memory_space<vmem>>
        %dma_start3A_355 = arith.constant 0 : i32
        %dma_start3A_356 = tpu.memref_slice %arg19[%get3A_352, %dma_start3A_355] : memref<16000x512xf32, #tpu.memory_space<any>> -> memref<1x512xf32, #tpu.memory_space<any>>
        tpu.enqueue_dma source(%dma_start3A_356 : memref<1x512xf32, #tpu.memory_space<any>>) target(%dma_start3A_354 : memref<1x512xf32, #tpu.memory_space<vmem>>) target_semaphore(%arg35 : memref<!tpu.dma_semaphore, #tpu.memory_space<semaphore_mem>>)
        %get3A_357 = arith.constant 1 : index
        %get3A_358 = arith.constant 0 : index
        %get3A_359 = memref.load %arg34[%get3A_357, %get3A_358] : memref<8x1xi32, #tpu.memory_space<smem>>
        %dma_start3A_360 = arith.constant 1 : i32
        %dma_start3A_361 = arith.constant 0 : i32
        %dma_start3A_362 = tpu.memref_slice %arg25[%dma_start3A_360, %dma_start3A_361] : memref<8x512xf32, #tpu.memory_space<vmem>> -> memref<1x512xf32, #tpu.memory_space<vmem>>
        %dma_start3A_363 = arith.constant 0 : i32
        %dma_start3A_364 = tpu.memref_slice %arg19[%get3A_359, %dma_start3A_363] : memref<16000x512xf32, #tpu.memory_space<any>> -> memref<1x512xf32, #tpu.memory_space<any>>
        tpu.enqueue_dma source(%dma_start3A_364 : memref<1x512xf32, #tpu.memory_space<any>>) target(%dma_start3A_362 : memref<1x512xf32, #tpu.memory_space<vmem>>) target_semaphore(%arg35 : memref<!tpu.dma_semaphore, #tpu.memory_space<semaphore_mem>>)
        %get3A_365 = arith.constant 2 : index
        %get3A_366 = arith.constant 0 : index
        %get3A_367 = memref.load %arg34[%get3A_365, %get3A_366] : memref<8x1xi32, #tpu.memory_space<smem>>
        %dma_start3A_368 = arith.constant 2 : i32
        %dma_start3A_369 = arith.constant 0 : i32
        %dma_start3A_370 = tpu.memref_slice %arg25[%dma_start3A_368, %dma_start3A_369] : memref<8x512xf32, #tpu.memory_space<vmem>> -> memref<1x512xf32, #tpu.memory_space<vmem>>
        %dma_start3A_371 = arith.constant 0 : i32
        %dma_start3A_372 = tpu.memref_slice %arg19[%get3A_367, %dma_start3A_371] : memref<16000x512xf32, #tpu.memory_space<any>> -> memref<1x512xf32, #tpu.memory_space<any>>
        tpu.enqueue_dma source(%dma_start3A_372 : memref<1x512xf32, #tpu.memory_space<any>>) target(%dma_start3A_370 : memref<1x512xf32, #tpu.memory_space<vmem>>) target_semaphore(%arg35 : memref<!tpu.dma_semaphore, #tpu.memory_space<semaphore_mem>>)
        %get3A_373 = arith.constant 3 : index
        %get3A_374 = arith.constant 0 : index
        %get3A_375 = memref.load %arg34[%get3A_373, %get3A_374] : memref<8x1xi32, #tpu.memory_space<smem>>
        %dma_start3A_376 = arith.constant 3 : i32
        %dma_start3A_377 = arith.constant 0 : i32
        %dma_start3A_378 = tpu.memref_slice %arg25[%dma_start3A_376, %dma_start3A_377] : memref<8x512xf32, #tpu.memory_space<vmem>> -> memref<1x512xf32, #tpu.memory_space<vmem>>
        %dma_start3A_379 = arith.constant 0 : i32
        %dma_start3A_380 = tpu.memref_slice %arg19[%get3A_375, %dma_start3A_379] : memref<16000x512xf32, #tpu.memory_space<any>> -> memref<1x512xf32, #tpu.memory_space<any>>
        tpu.enqueue_dma source(%dma_start3A_380 : memref<1x512xf32, #tpu.memory_space<any>>) target(%dma_start3A_378 : memref<1x512xf32, #tpu.memory_space<vmem>>) target_semaphore(%arg35 : memref<!tpu.dma_semaphore, #tpu.memory_space<semaphore_mem>>)
        %get3A_381 = arith.constant 4 : index
        %get3A_382 = arith.constant 0 : index
        %get3A_383 = memref.load %arg34[%get3A_381, %get3A_382] : memref<8x1xi32, #tpu.memory_space<smem>>
        %dma_start3A_384 = arith.constant 4 : i32
        %dma_start3A_385 = arith.constant 0 : i32
        %dma_start3A_386 = tpu.memref_slice %arg25[%dma_start3A_384, %dma_start3A_385] : memref<8x512xf32, #tpu.memory_space<vmem>> -> memref<1x512xf32, #tpu.memory_space<vmem>>
        %dma_start3A_387 = arith.constant 0 : i32
        %dma_start3A_388 = tpu.memref_slice %arg19[%get3A_383, %dma_start3A_387] : memref<16000x512xf32, #tpu.memory_space<any>> -> memref<1x512xf32, #tpu.memory_space<any>>
        tpu.enqueue_dma source(%dma_start3A_388 : memref<1x512xf32, #tpu.memory_space<any>>) target(%dma_start3A_386 : memref<1x512xf32, #tpu.memory_space<vmem>>) target_semaphore(%arg35 : memref<!tpu.dma_semaphore, #tpu.memory_space<semaphore_mem>>)
        %get3A_389 = arith.constant 5 : index
        %get3A_390 = arith.constant 0 : index
        %get3A_391 = memref.load %arg34[%get3A_389, %get3A_390] : memref<8x1xi32, #tpu.memory_space<smem>>
        %dma_start3A_392 = arith.constant 5 : i32
        %dma_start3A_393 = arith.constant 0 : i32
        %dma_start3A_394 = tpu.memref_slice %arg25[%dma_start3A_392, %dma_start3A_393] : memref<8x512xf32, #tpu.memory_space<vmem>> -> memref<1x512xf32, #tpu.memory_space<vmem>>
        %dma_start3A_395 = arith.constant 0 : i32
        %dma_start3A_396 = tpu.memref_slice %arg19[%get3A_391, %dma_start3A_395] : memref<16000x512xf32, #tpu.memory_space<any>> -> memref<1x512xf32, #tpu.memory_space<any>>
        tpu.enqueue_dma source(%dma_start3A_396 : memref<1x512xf32, #tpu.memory_space<any>>) target(%dma_start3A_394 : memref<1x512xf32, #tpu.memory_space<vmem>>) target_semaphore(%arg35 : memref<!tpu.dma_semaphore, #tpu.memory_space<semaphore_mem>>)
        %get3A_397 = arith.constant 6 : index
        %get3A_398 = arith.constant 0 : index
        %get3A_399 = memref.load %arg34[%get3A_397, %get3A_398] : memref<8x1xi32, #tpu.memory_space<smem>>
        %dma_start3A_400 = arith.constant 6 : i32
        %dma_start3A_401 = arith.constant 0 : i32
        %dma_start3A_402 = tpu.memref_slice %arg25[%dma_start3A_400, %dma_start3A_401] : memref<8x512xf32, #tpu.memory_space<vmem>> -> memref<1x512xf32, #tpu.memory_space<vmem>>
        %dma_start3A_403 = arith.constant 0 : i32
        %dma_start3A_404 = tpu.memref_slice %arg19[%get3A_399, %dma_start3A_403] : memref<16000x512xf32, #tpu.memory_space<any>> -> memref<1x512xf32, #tpu.memory_space<any>>
        tpu.enqueue_dma source(%dma_start3A_404 : memref<1x512xf32, #tpu.memory_space<any>>) target(%dma_start3A_402 : memref<1x512xf32, #tpu.memory_space<vmem>>) target_semaphore(%arg35 : memref<!tpu.dma_semaphore, #tpu.memory_space<semaphore_mem>>)
        %get3A_405 = arith.constant 7 : index
        %get3A_406 = arith.constant 0 : index
        %get3A_407 = memref.load %arg34[%get3A_405, %get3A_406] : memref<8x1xi32, #tpu.memory_space<smem>>
        %dma_start3A_408 = arith.constant 7 : i32
        %dma_start3A_409 = arith.constant 0 : i32
        %dma_start3A_410 = tpu.memref_slice %arg25[%dma_start3A_408, %dma_start3A_409] : memref<8x512xf32, #tpu.memory_space<vmem>> -> memref<1x512xf32, #tpu.memory_space<vmem>>
        %dma_start3A_411 = arith.constant 0 : i32
        %dma_start3A_412 = tpu.memref_slice %arg19[%get3A_407, %dma_start3A_411] : memref<16000x512xf32, #tpu.memory_space<any>> -> memref<1x512xf32, #tpu.memory_space<any>>
        tpu.enqueue_dma source(%dma_start3A_412 : memref<1x512xf32, #tpu.memory_space<any>>) target(%dma_start3A_410 : memref<1x512xf32, #tpu.memory_space<vmem>>) target_semaphore(%arg35 : memref<!tpu.dma_semaphore, #tpu.memory_space<semaphore_mem>>)
        %get3A_413 = arith.constant 0 : index
        %get3A_414 = arith.constant 0 : index
        %get3A_415 = memref.load %arg34[%get3A_413, %get3A_414] : memref<8x1xi32, #tpu.memory_space<smem>>
        %dma_wait3A = arith.constant 0 : i32
        %dma_wait3A_416 = arith.constant 0 : i32
        %dma_wait3A_417 = tpu.memref_slice %arg25[%dma_wait3A, %dma_wait3A_416] : memref<8x512xf32, #tpu.memory_space<vmem>> -> memref<1x512xf32, #tpu.memory_space<vmem>>
        %dma_wait3A_418 = arith.constant 0 : i32
        %dma_wait3A_419 = tpu.memref_slice %arg19[%get3A_415, %dma_wait3A_418] : memref<16000x512xf32, #tpu.memory_space<any>> -> memref<1x512xf32, #tpu.memory_space<any>>
        tpu.wait_dma2 semaphore(%arg35 : memref<!tpu.dma_semaphore, #tpu.memory_space<semaphore_mem>>) src(%dma_wait3A_419 : memref<1x512xf32, #tpu.memory_space<any>>) dst(%dma_wait3A_417 : memref<1x512xf32, #tpu.memory_space<vmem>>)
        %get3A_420 = arith.constant 1 : index
        %get3A_421 = arith.constant 0 : index
        %get3A_422 = memref.load %arg34[%get3A_420, %get3A_421] : memref<8x1xi32, #tpu.memory_space<smem>>
        %dma_wait3A_423 = arith.constant 1 : i32
        %dma_wait3A_424 = arith.constant 0 : i32
        %dma_wait3A_425 = tpu.memref_slice %arg25[%dma_wait3A_423, %dma_wait3A_424] : memref<8x512xf32, #tpu.memory_space<vmem>> -> memref<1x512xf32, #tpu.memory_space<vmem>>
        %dma_wait3A_426 = arith.constant 0 : i32
        %dma_wait3A_427 = tpu.memref_slice %arg19[%get3A_422, %dma_wait3A_426] : memref<16000x512xf32, #tpu.memory_space<any>> -> memref<1x512xf32, #tpu.memory_space<any>>
        tpu.wait_dma2 semaphore(%arg35 : memref<!tpu.dma_semaphore, #tpu.memory_space<semaphore_mem>>) src(%dma_wait3A_427 : memref<1x512xf32, #tpu.memory_space<any>>) dst(%dma_wait3A_425 : memref<1x512xf32, #tpu.memory_space<vmem>>)
        %get3A_428 = arith.constant 2 : index
        %get3A_429 = arith.constant 0 : index
        %get3A_430 = memref.load %arg34[%get3A_428, %get3A_429] : memref<8x1xi32, #tpu.memory_space<smem>>
        %dma_wait3A_431 = arith.constant 2 : i32
        %dma_wait3A_432 = arith.constant 0 : i32
        %dma_wait3A_433 = tpu.memref_slice %arg25[%dma_wait3A_431, %dma_wait3A_432] : memref<8x512xf32, #tpu.memory_space<vmem>> -> memref<1x512xf32, #tpu.memory_space<vmem>>
        %dma_wait3A_434 = arith.constant 0 : i32
        %dma_wait3A_435 = tpu.memref_slice %arg19[%get3A_430, %dma_wait3A_434] : memref<16000x512xf32, #tpu.memory_space<any>> -> memref<1x512xf32, #tpu.memory_space<any>>
        tpu.wait_dma2 semaphore(%arg35 : memref<!tpu.dma_semaphore, #tpu.memory_space<semaphore_mem>>) src(%dma_wait3A_435 : memref<1x512xf32, #tpu.memory_space<any>>) dst(%dma_wait3A_433 : memref<1x512xf32, #tpu.memory_space<vmem>>)
        %get3A_436 = arith.constant 3 : index
        %get3A_437 = arith.constant 0 : index
        %get3A_438 = memref.load %arg34[%get3A_436, %get3A_437] : memref<8x1xi32, #tpu.memory_space<smem>>
        %dma_wait3A_439 = arith.constant 3 : i32
        %dma_wait3A_440 = arith.constant 0 : i32
        %dma_wait3A_441 = tpu.memref_slice %arg25[%dma_wait3A_439, %dma_wait3A_440] : memref<8x512xf32, #tpu.memory_space<vmem>> -> memref<1x512xf32, #tpu.memory_space<vmem>>
        %dma_wait3A_442 = arith.constant 0 : i32
        %dma_wait3A_443 = tpu.memref_slice %arg19[%get3A_438, %dma_wait3A_442] : memref<16000x512xf32, #tpu.memory_space<any>> -> memref<1x512xf32, #tpu.memory_space<any>>
        tpu.wait_dma2 semaphore(%arg35 : memref<!tpu.dma_semaphore, #tpu.memory_space<semaphore_mem>>) src(%dma_wait3A_443 : memref<1x512xf32, #tpu.memory_space<any>>) dst(%dma_wait3A_441 : memref<1x512xf32, #tpu.memory_space<vmem>>)
        %get3A_444 = arith.constant 4 : index
        %get3A_445 = arith.constant 0 : index
        %get3A_446 = memref.load %arg34[%get3A_444, %get3A_445] : memref<8x1xi32, #tpu.memory_space<smem>>
        %dma_wait3A_447 = arith.constant 4 : i32
        %dma_wait3A_448 = arith.constant 0 : i32
        %dma_wait3A_449 = tpu.memref_slice %arg25[%dma_wait3A_447, %dma_wait3A_448] : memref<8x512xf32, #tpu.memory_space<vmem>> -> memref<1x512xf32, #tpu.memory_space<vmem>>
        %dma_wait3A_450 = arith.constant 0 : i32
        %dma_wait3A_451 = tpu.memref_slice %arg19[%get3A_446, %dma_wait3A_450] : memref<16000x512xf32, #tpu.memory_space<any>> -> memref<1x512xf32, #tpu.memory_space<any>>
        tpu.wait_dma2 semaphore(%arg35 : memref<!tpu.dma_semaphore, #tpu.memory_space<semaphore_mem>>) src(%dma_wait3A_451 : memref<1x512xf32, #tpu.memory_space<any>>) dst(%dma_wait3A_449 : memref<1x512xf32, #tpu.memory_space<vmem>>)
        %get3A_452 = arith.constant 5 : index
        %get3A_453 = arith.constant 0 : index
        %get3A_454 = memref.load %arg34[%get3A_452, %get3A_453] : memref<8x1xi32, #tpu.memory_space<smem>>
        %dma_wait3A_455 = arith.constant 5 : i32
        %dma_wait3A_456 = arith.constant 0 : i32
        %dma_wait3A_457 = tpu.memref_slice %arg25[%dma_wait3A_455, %dma_wait3A_456] : memref<8x512xf32, #tpu.memory_space<vmem>> -> memref<1x512xf32, #tpu.memory_space<vmem>>
        %dma_wait3A_458 = arith.constant 0 : i32
        %dma_wait3A_459 = tpu.memref_slice %arg19[%get3A_454, %dma_wait3A_458] : memref<16000x512xf32, #tpu.memory_space<any>> -> memref<1x512xf32, #tpu.memory_space<any>>
        tpu.wait_dma2 semaphore(%arg35 : memref<!tpu.dma_semaphore, #tpu.memory_space<semaphore_mem>>) src(%dma_wait3A_459 : memref<1x512xf32, #tpu.memory_space<any>>) dst(%dma_wait3A_457 : memref<1x512xf32, #tpu.memory_space<vmem>>)
        %get3A_460 = arith.constant 6 : index
        %get3A_461 = arith.constant 0 : index
        %get3A_462 = memref.load %arg34[%get3A_460, %get3A_461] : memref<8x1xi32, #tpu.memory_space<smem>>
        %dma_wait3A_463 = arith.constant 6 : i32
        %dma_wait3A_464 = arith.constant 0 : i32
        %dma_wait3A_465 = tpu.memref_slice %arg25[%dma_wait3A_463, %dma_wait3A_464] : memref<8x512xf32, #tpu.memory_space<vmem>> -> memref<1x512xf32, #tpu.memory_space<vmem>>
        %dma_wait3A_466 = arith.constant 0 : i32
        %dma_wait3A_467 = tpu.memref_slice %arg19[%get3A_462, %dma_wait3A_466] : memref<16000x512xf32, #tpu.memory_space<any>> -> memref<1x512xf32, #tpu.memory_space<any>>
        tpu.wait_dma2 semaphore(%arg35 : memref<!tpu.dma_semaphore, #tpu.memory_space<semaphore_mem>>) src(%dma_wait3A_467 : memref<1x512xf32, #tpu.memory_space<any>>) dst(%dma_wait3A_465 : memref<1x512xf32, #tpu.memory_space<vmem>>)
        %get3A_468 = arith.constant 7 : index
        %get3A_469 = arith.constant 0 : index
        %get3A_470 = memref.load %arg34[%get3A_468, %get3A_469] : memref<8x1xi32, #tpu.memory_space<smem>>
        %dma_wait3A_471 = arith.constant 7 : i32
        %dma_wait3A_472 = arith.constant 0 : i32
        %dma_wait3A_473 = tpu.memref_slice %arg25[%dma_wait3A_471, %dma_wait3A_472] : memref<8x512xf32, #tpu.memory_space<vmem>> -> memref<1x512xf32, #tpu.memory_space<vmem>>
        %dma_wait3A_474 = arith.constant 0 : i32
        %dma_wait3A_475 = tpu.memref_slice %arg19[%get3A_470, %dma_wait3A_474] : memref<16000x512xf32, #tpu.memory_space<any>> -> memref<1x512xf32, #tpu.memory_space<any>>
        tpu.wait_dma2 semaphore(%arg35 : memref<!tpu.dma_semaphore, #tpu.memory_space<semaphore_mem>>) src(%dma_wait3A_475 : memref<1x512xf32, #tpu.memory_space<any>>) dst(%dma_wait3A_473 : memref<1x512xf32, #tpu.memory_space<vmem>>)
        %get3A_476 = arith.constant 0 : index
        %get3A_477 = arith.constant 0 : index
        %get3A_478 = vector.load %arg25[%get3A_476, %get3A_477] : memref<8x512xf32, #tpu.memory_space<vmem>>, vector<8x512xf32>
        %get3A_479 = arith.constant 0 : index
        %get3A_480 = arith.constant 0 : index
        %get3A_481 = vector.load %arg5[%get3A_479, %get3A_480] : memref<512x3072xf32, #tpu.memory_space<vmem>>, vector<512x3072xf32>
        %dot_general3A_482 = arith.constant dense<0.000000e+00> : vector<8x3072xf32>
        %dot_general3A_483 = tpu.matmul %get3A_478, %get3A_481, %dot_general3A_482 {dimension_numbers = #tpu.dot_dimension_numbers<[1], [0], [0], [1], [0, 0, 1, 1], [], []>, transpose_lhs_hint = false} : vector<8x512xf32>, vector<512x3072xf32>, vector<8x3072xf32> -> vector<8x3072xf32>
        %swap3A_484 = arith.constant 0 : index
        %swap3A_485 = arith.constant 0 : index
        %swap3A_486 = vector.load %arg32[%swap3A_484, %swap3A_485] : memref<8x3072xf32, #tpu.memory_space<vmem>>, vector<8x3072xf32>
        tpu.vector_store %arg32[%swap3A_484, %swap3A_485], %dot_general3A_483 {strides = array<i32>} : memref<8x3072xf32, #tpu.memory_space<vmem>>, vector<8x3072xf32>,
      } else {
      }
      %broadcast_in_dim3A_57 = arith.constant 0xFF800000 : f32
      %broadcast_in_dim3A_58 = vector.broadcast %broadcast_in_dim3A_57 : f32 to vector<8x128xf32>
      %swap3A_59 = arith.constant 0 : index
      %swap3A_60 = arith.constant 0 : index
      %swap3A_61 = vector.load %arg30[%swap3A_59, %swap3A_60] : memref<8x128xf32, #tpu.memory_space<vmem>>, vector<8x128xf32>
      tpu.vector_store %arg30[%swap3A_59, %swap3A_60], %broadcast_in_dim3A_58 {strides = array<i32>} : memref<8x128xf32, #tpu.memory_space<vmem>>, vector<8x128xf32>,
      %get3A_62 = arith.constant 0 : index
      %get3A_63 = arith.constant 0 : index
      %get3A_64 = vector.load %arg32[%get3A_62, %get3A_63] : memref<8x3072xf32, #tpu.memory_space<vmem>>, vector<8x3072xf32>
      %get3A_65 = arith.constant 0 : index
      %get3A_66 = arith.constant 0 : index
      %get3A_67 = vector.load %arg22[%get3A_65, %get3A_66] : memref<8x768xf32, #tpu.memory_space<vmem>>, vector<8x768xf32>
      %get3A_68 = arith.constant 0 : index
      %get3A_69 = arith.constant 0 : index
      %get3A_70 = vector.load %arg6[%get3A_68, %get3A_69] : memref<768x3072xf32, #tpu.memory_space<vmem>>, vector<768x3072xf32>
      %dot_general3A_71 = arith.constant dense<0.000000e+00> : vector<8x3072xf32>
      %dot_general3A_72 = tpu.matmul %get3A_67, %get3A_70, %dot_general3A_71 {dimension_numbers = #tpu.dot_dimension_numbers<[1], [0], [0], [1], [0, 0, 1, 1], [], []>, transpose_lhs_hint = false} : vector<8x768xf32>, vector<768x3072xf32>, vector<8x3072xf32> -> vector<8x3072xf32>
      %add3A_73 = arith.addf %get3A_64, %dot_general3A_72 : vector<8x3072xf32>
      %get3A_74 = arith.constant 0 : index
      %get3A_75 = arith.constant 0 : index
      %get3A_76 = vector.load %arg7[%get3A_74, %get3A_75] : memref<1x3072xf32, #tpu.memory_space<vmem>>, vector<1x3072xf32>
      %add3A_77 = vector.broadcast %get3A_76 : vector<1x3072xf32> to vector<8x3072xf32>
      %add3A_78 = arith.addf %add3A_73, %add3A_77 : vector<8x3072xf32>
      %get3A_79 = arith.constant 0 : index
      %get3A_80 = arith.constant 0 : index
      %get3A_81 = vector.load %arg8[%get3A_79, %get3A_80] : memref<1x3072xf32, #tpu.memory_space<vmem>>, vector<1x3072xf32>
      %add3A_82 = vector.broadcast %get3A_81 : vector<1x3072xf32> to vector<8x3072xf32>
      %add3A_83 = arith.addf %add3A_78, %add3A_82 : vector<8x3072xf32>
      %slice3A = vector.extract_strided_slice %add3A_83 {offsets = [0, 0], sizes = [8, 768], strides = [1, 1]} : vector<8x3072xf32> to vector<8x768xf32>
      %logistic3A = arith.negf %slice3A : vector<8x768xf32>
      %logistic3A_84 = math.exp %logistic3A : vector<8x768xf32>
      %logistic3A_85 = arith.constant 1.000000e+00 : f32
      %logistic3A_86 = vector.broadcast %logistic3A_85 : f32 to vector<8x768xf32>
      %logistic3A_87 = arith.addf %logistic3A_86, %logistic3A_84 : vector<8x768xf32>
      %logistic3A_88 = arith.divf %logistic3A_86, %logistic3A_87 : vector<8x768xf32>
      %slice3A_89 = vector.extract_strided_slice %add3A_83 {offsets = [0, 768], sizes = [8, 768], strides = [1, 1]} : vector<8x3072xf32> to vector<8x768xf32>
      %logistic3A_90 = arith.negf %slice3A_89 : vector<8x768xf32>
      %logistic3A_91 = math.exp %logistic3A_90 : vector<8x768xf32>
      %logistic3A_92 = arith.constant 1.000000e+00 : f32
      %logistic3A_93 = vector.broadcast %logistic3A_92 : f32 to vector<8x768xf32>
      %logistic3A_94 = arith.addf %logistic3A_93, %logistic3A_91 : vector<8x768xf32>
      %logistic3A_95 = arith.divf %logistic3A_93, %logistic3A_94 : vector<8x768xf32>
      %slice3A_96 = vector.extract_strided_slice %add3A_83 {offsets = [0, 1536], sizes = [8, 768], strides = [1, 1]} : vector<8x3072xf32> to vector<8x768xf32>
      %tanh3A = math.tanh %slice3A_96 : vector<8x768xf32>
      %slice3A_97 = vector.extract_strided_slice %add3A_83 {offsets = [0, 2304], sizes = [8, 768], strides = [1, 1]} : vector<8x3072xf32> to vector<8x768xf32>
      %logistic3A_98 = arith.negf %slice3A_97 : vector<8x768xf32>
      %logistic3A_99 = math.exp %logistic3A_98 : vector<8x768xf32>
      %logistic3A_100 = arith.constant 1.000000e+00 : f32
      %logistic3A_101 = vector.broadcast %logistic3A_100 : f32 to vector<8x768xf32>
      %logistic3A_102 = arith.addf %logistic3A_101, %logistic3A_99 : vector<8x768xf32>
      %logistic3A_103 = arith.divf %logistic3A_101, %logistic3A_102 : vector<8x768xf32>
      %get3A_104 = arith.constant 0 : index
      %get3A_105 = arith.constant 0 : index
      %get3A_106 = vector.load %arg23[%get3A_104, %get3A_105] : memref<8x768xf32, #tpu.memory_space<vmem>>, vector<8x768xf32>
      %mul3A_107 = arith.mulf %logistic3A_95, %get3A_106 : vector<8x768xf32>
      %mul3A_108 = arith.mulf %logistic3A_88, %tanh3A : vector<8x768xf32>
      %add3A_109 = arith.addf %mul3A_107, %mul3A_108 : vector<8x768xf32>
      %tanh3A_110 = math.tanh %add3A_109 : vector<8x768xf32>
      %mul3A_111 = arith.mulf %logistic3A_103, %tanh3A_110 : vector<8x768xf32>
      %swap3A_112 = arith.constant 0 : index
      %swap3A_113 = arith.constant 0 : index
      %swap3A_114 = vector.load %arg22[%swap3A_112, %swap3A_113] : memref<8x768xf32, #tpu.memory_space<vmem>>, vector<8x768xf32>
      tpu.vector_store %arg22[%swap3A_112, %swap3A_113], %mul3A_111 {strides = array<i32>} : memref<8x768xf32, #tpu.memory_space<vmem>>, vector<8x768xf32>,
      %swap3A_115 = arith.constant 0 : index
      %swap3A_116 = arith.constant 0 : index
      %swap3A_117 = vector.load %arg23[%swap3A_115, %swap3A_116] : memref<8x768xf32, #tpu.memory_space<vmem>>, vector<8x768xf32>
      tpu.vector_store %arg23[%swap3A_115, %swap3A_116], %add3A_109 {strides = array<i32>} : memref<8x768xf32, #tpu.memory_space<vmem>>, vector<8x768xf32>,
      %get3A_118 = arith.constant 0 : index
      %get3A_119 = arith.constant 0 : index
      %get3A_120 = vector.load %arg9[%get3A_118, %get3A_119] : memref<768x768xf32, #tpu.memory_space<vmem>>, vector<768x768xf32>
      %dot_general3A_121 = arith.constant dense<0.000000e+00> : vector<8x768xf32>
      %dot_general3A_122 = tpu.matmul %mul3A_111, %get3A_120, %dot_general3A_121 {dimension_numbers = #tpu.dot_dimension_numbers<[1], [0], [0], [1], [0, 0, 1, 1], [], []>, transpose_lhs_hint = false} : vector<8x768xf32>, vector<768x768xf32>, vector<8x768xf32> -> vector<8x768xf32>
      %get3A_123 = arith.constant 0 : index
      %get3A_124 = arith.constant 0 : index
      %get3A_125 = vector.load %arg13[%get3A_123, %get3A_124] : memref<1x768xf32, #tpu.memory_space<vmem>>, vector<1x768xf32>
      %add3A_126 = vector.broadcast %get3A_125 : vector<1x768xf32> to vector<8x768xf32>
      %add3A_127 = arith.addf %dot_general3A_122, %add3A_126 : vector<8x768xf32>
      %get3A_128 = arith.constant 0 : index
      %get3A_129 = arith.constant 0 : index
      %get3A_130 = vector.load %arg10[%get3A_128, %get3A_129] : memref<768x768xf32, #tpu.memory_space<vmem>>, vector<768x768xf32>
      %dot_general3A_131 = arith.constant dense<0.000000e+00> : vector<8x768xf32>
      %dot_general3A_132 = tpu.matmul %mul3A_111, %get3A_130, %dot_general3A_131 {dimension_numbers = #tpu.dot_dimension_numbers<[1], [0], [0], [1], [0, 0, 1, 1], [], []>, transpose_lhs_hint = false} : vector<8x768xf32>, vector<768x768xf32>, vector<8x768xf32> -> vector<8x768xf32>
      %get3A_133 = arith.constant 0 : index
      %get3A_134 = arith.constant 0 : index
      %get3A_135 = vector.load %arg14[%get3A_133, %get3A_134] : memref<1x768xf32, #tpu.memory_space<vmem>>, vector<1x768xf32>
      %add3A_136 = vector.broadcast %get3A_135 : vector<1x768xf32> to vector<8x768xf32>
      %add3A_137 = arith.addf %dot_general3A_132, %add3A_136 : vector<8x768xf32>
      %get3A_138 = arith.constant 0 : index
      %get3A_139 = arith.constant 0 : index
      %get3A_140 = vector.load %arg11[%get3A_138, %get3A_139] : memref<768x768xf32, #tpu.memory_space<vmem>>, vector<768x768xf32>
      %dot_general3A_141 = arith.constant dense<0.000000e+00> : vector<8x768xf32>
      %dot_general3A_142 = tpu.matmul %mul3A_111, %get3A_140, %dot_general3A_141 {dimension_numbers = #tpu.dot_dimension_numbers<[1], [0], [0], [1], [0, 0, 1, 1], [], []>, transpose_lhs_hint = false} : vector<8x768xf32>, vector<768x768xf32>, vector<8x768xf32> -> vector<8x768xf32>
      %get3A_143 = arith.constant 0 : index
      %get3A_144 = arith.constant 0 : index
      %get3A_145 = vector.load %arg15[%get3A_143, %get3A_144] : memref<1x768xf32, #tpu.memory_space<vmem>>, vector<1x768xf32>
      %add3A_146 = vector.broadcast %get3A_145 : vector<1x768xf32> to vector<8x768xf32>
      %add3A_147 = arith.addf %dot_general3A_142, %add3A_146 : vector<8x768xf32>
      %get3A_148 = arith.constant 0 : index
      %get3A_149 = arith.constant 0 : index
      %get3A_150 = vector.load %arg26[%get3A_148, %get3A_149] : memref<8x768xf32, #tpu.memory_space<vmem>>, vector<8x768xf32>
      %get3A_151 = arith.constant 0 : index
      %get3A_152 = arith.constant 0 : index
      %get3A_153 = vector.load %arg27[%get3A_151, %get3A_152] : memref<8x768xf32, #tpu.memory_space<vmem>>, vector<8x768xf32>
      %concatenate3A = tpu.concatenate %get3A_150, %get3A_153, %add3A_137 in 0 : vector<8x768xf32>, vector<8x768xf32>, vector<8x768xf32> -> vector<24x768xf32>
      %get3A_154 = arith.constant 0 : index
      %get3A_155 = arith.constant 0 : index
      %get3A_156 = vector.load %arg28[%get3A_154, %get3A_155] : memref<8x768xf32, #tpu.memory_space<vmem>>, vector<8x768xf32>
      %get3A_157 = arith.constant 0 : index
      %get3A_158 = arith.constant 0 : index
      %get3A_159 = vector.load %arg29[%get3A_157, %get3A_158] : memref<8x768xf32, #tpu.memory_space<vmem>>, vector<8x768xf32>
      %concatenate3A_160 = tpu.concatenate %get3A_156, %get3A_159, %add3A_147 in 0 : vector<8x768xf32>, vector<8x768xf32>, vector<8x768xf32> -> vector<24x768xf32>
      %dot_general3A_161 = arith.constant dense<0.000000e+00> : vector<8x24xf32>
      %dot_general3A_162 = tpu.matmul %add3A_127, %concatenate3A, %dot_general3A_161 {dimension_numbers = #tpu.dot_dimension_numbers<[1], [1], [0], [0], [0, 0, 1, 0], [], []>, transpose_lhs_hint = false} : vector<8x768xf32>, vector<24x768xf32>, vector<8x24xf32> -> vector<8x24xf32>
      %iota3A_163 = tpu.iota {dimensions = array<i32: 1>} : vector<8x24xi32>
      %iota3A_164 = tpu.iota {dimensions = array<i32: 0>} : vector<8x24xi32>
      %sqrt3A = arith.constant 7.680000e+02 : f32
      %sqrt3A_165 = math.sqrt %sqrt3A : f32
      %add3A_166 = arith.constant 0 : i32
      %add3A_167 = vector.broadcast %add3A_166 : i32 to vector<8x24xi32>
      %add3A_168 = arith.addi %add3A_167, %iota3A_164 : vector<8x24xi32>
      %eq3A_169 = arith.cmpi eq, %iota3A_163, %add3A_168 : vector<8x24xi32>
      %add3A_170 = arith.constant 8 : i32
      %add3A_171 = vector.broadcast %add3A_170 : i32 to vector<8x24xi32>
      %add3A_172 = arith.addi %add3A_171, %iota3A_164 : vector<8x24xi32>
      %eq3A_173 = arith.cmpi eq, %iota3A_163, %add3A_172 : vector<8x24xi32>
      %add3A_174 = arith.constant 16 : i32
      %add3A_175 = vector.broadcast %add3A_174 : i32 to vector<8x24xi32>
      %add3A_176 = arith.addi %add3A_175, %iota3A_164 : vector<8x24xi32>
      %eq3A_177 = arith.cmpi eq, %iota3A_163, %add3A_176 : vector<8x24xi32>
      %jit3A_178 = arith.constant 0.000000e+00 : f32
      %broadcast_in_dim3A_179 = vector.broadcast %jit3A_178 : f32 to vector<8x24xf32>
      %select_n3A_180 = arith.select %eq3A_169, %dot_general3A_162, %broadcast_in_dim3A_179 : vector<8x24xi1>, vector<8x24xf32>
      %reduce_sum3A = arith.constant dense<0.000000e+00> : vector<8xf32>
      %reduce_sum3A_181 = vector.multi_reduction <add>, %select_n3A_180, %reduce_sum3A [1] : vector<8x24xf32> to vector<8xf32>
      %broadcast_in_dim3A_182 = vector.shape_cast %reduce_sum3A_181 : vector<8xf32> to vector<8x1xf32>
      %div3A = vector.broadcast %sqrt3A_165 : f32 to vector<8x1xf32>
      %div3A_183 = arith.divf %broadcast_in_dim3A_182, %div3A : vector<8x1xf32>
      %jit3A_184 = arith.constant 0.000000e+00 : f32
      %broadcast_in_dim3A_185 = vector.broadcast %jit3A_184 : f32 to vector<8x24xf32>
      %select_n3A_186 = arith.select %eq3A_173, %dot_general3A_162, %broadcast_in_dim3A_185 : vector<8x24xi1>, vector<8x24xf32>
      %reduce_sum3A_187 = arith.constant dense<0.000000e+00> : vector<8xf32>
      %reduce_sum3A_188 = vector.multi_reduction <add>, %select_n3A_186, %reduce_sum3A_187 [1] : vector<8x24xf32> to vector<8xf32>
      %broadcast_in_dim3A_189 = vector.shape_cast %reduce_sum3A_188 : vector<8xf32> to vector<8x1xf32>
      %div3A_190 = vector.broadcast %sqrt3A_165 : f32 to vector<8x1xf32>
      %div3A_191 = arith.divf %broadcast_in_dim3A_189, %div3A_190 : vector<8x1xf32>
      %jit3A_192 = arith.constant 0.000000e+00 : f32
      %broadcast_in_dim3A_193 = vector.broadcast %jit3A_192 : f32 to vector<8x24xf32>
      %select_n3A_194 = arith.select %eq3A_177, %dot_general3A_162, %broadcast_in_dim3A_193 : vector<8x24xi1>, vector<8x24xf32>
      %reduce_sum3A_195 = arith.constant dense<0.000000e+00> : vector<8xf32>
      %reduce_sum3A_196 = vector.multi_reduction <add>, %select_n3A_194, %reduce_sum3A_195 [1] : vector<8x24xf32> to vector<8xf32>
      %broadcast_in_dim3A_197 = vector.shape_cast %reduce_sum3A_196 : vector<8xf32> to vector<8x1xf32>
      %div3A_198 = vector.broadcast %sqrt3A_165 : f32 to vector<8x1xf32>
      %div3A_199 = arith.divf %broadcast_in_dim3A_197, %div3A_198 : vector<8x1xf32>
      %max3A = arith.maximumf %div3A_183, %div3A_191 : vector<8x1xf32>
      %max3A_200 = arith.maximumf %max3A, %div3A_199 : vector<8x1xf32>
      %sub3A = arith.subf %div3A_183, %max3A_200 : vector<8x1xf32>
      %exp3A = math.exp %sub3A : vector<8x1xf32>
      %sub3A_201 = arith.subf %div3A_191, %max3A_200 : vector<8x1xf32>
      %exp3A_202 = math.exp %sub3A_201 : vector<8x1xf32>
      %sub3A_203 = arith.subf %div3A_199, %max3A_200 : vector<8x1xf32>
      %exp3A_204 = math.exp %sub3A_203 : vector<8x1xf32>
      %add3A_205 = arith.addf %exp3A, %exp3A_202 : vector<8x1xf32>
      %add3A_206 = arith.addf %add3A_205, %exp3A_204 : vector<8x1xf32>
      %div3A_207 = arith.divf %exp3A, %add3A_206 : vector<8x1xf32>
      %jit3A_208 = arith.constant 0.000000e+00 : f32
      %broadcast_in_dim3A_209 = vector.shape_cast %div3A_207 : vector<8x1xf32> to vector<8x1xf32>
      %broadcast_in_dim3A_210 = vector.broadcast %broadcast_in_dim3A_209 : vector<8x1xf32> to vector<8x24xf32>
      %broadcast_in_dim3A_211 = vector.broadcast %jit3A_208 : f32 to vector<8x24xf32>
      %select_n3A_212 = arith.select %eq3A_169, %broadcast_in_dim3A_210, %broadcast_in_dim3A_211 : vector<8x24xi1>, vector<8x24xf32>
      %div3A_213 = arith.divf %exp3A_202, %add3A_206 : vector<8x1xf32>
      %jit3A_214 = arith.constant 0.000000e+00 : f32
      %broadcast_in_dim3A_215 = vector.shape_cast %div3A_213 : vector<8x1xf32> to vector<8x1xf32>
      %broadcast_in_dim3A_216 = vector.broadcast %broadcast_in_dim3A_215 : vector<8x1xf32> to vector<8x24xf32>
      %broadcast_in_dim3A_217 = vector.broadcast %jit3A_214 : f32 to vector<8x24xf32>
      %select_n3A_218 = arith.select %eq3A_173, %broadcast_in_dim3A_216, %broadcast_in_dim3A_217 : vector<8x24xi1>, vector<8x24xf32>
      %add3A_219 = arith.addf %select_n3A_212, %select_n3A_218 : vector<8x24xf32>
      %div3A_220 = arith.divf %exp3A_204, %add3A_206 : vector<8x1xf32>
      %jit3A_221 = arith.constant 0.000000e+00 : f32
      %broadcast_in_dim3A_222 = vector.shape_cast %div3A_220 : vector<8x1xf32> to vector<8x1xf32>
      %broadcast_in_dim3A_223 = vector.broadcast %broadcast_in_dim3A_222 : vector<8x1xf32> to vector<8x24xf32>
      %broadcast_in_dim3A_224 = vector.broadcast %jit3A_221 : f32 to vector<8x24xf32>
      %select_n3A_225 = arith.select %eq3A_177, %broadcast_in_dim3A_223, %broadcast_in_dim3A_224 : vector<8x24xi1>, vector<8x24xf32>
      %add3A_226 = arith.addf %add3A_219, %select_n3A_225 : vector<8x24xf32>
      %dot_general3A_227 = arith.constant dense<0.000000e+00> : vector<8x768xf32>
      %dot_general3A_228 = tpu.matmul %add3A_226, %concatenate3A_160, %dot_general3A_227 {dimension_numbers = #tpu.dot_dimension_numbers<[1], [0], [0], [1], [0, 0, 1, 1], [], []>, transpose_lhs_hint = false} : vector<8x24xf32>, vector<24x768xf32>, vector<8x768xf32> -> vector<8x768xf32>
      %get3A_229 = arith.constant 0 : index
      %get3A_230 = arith.constant 0 : index
      %get3A_231 = vector.load %arg12[%get3A_229, %get3A_230] : memref<768x768xf32, #tpu.memory_space<vmem>>, vector<768x768xf32>
      %dot_general3A_232 = arith.constant dense<0.000000e+00> : vector<8x768xf32>
      %dot_general3A_233 = tpu.matmul %dot_general3A_228, %get3A_231, %dot_general3A_232 {dimension_numbers = #tpu.dot_dimension_numbers<[1], [0], [0], [1], [0, 0, 1, 1], [], []>, transpose_lhs_hint = false} : vector<8x768xf32>, vector<768x768xf32>, vector<8x768xf32> -> vector<8x768xf32>
      %get3A_234 = arith.constant 0 : index
      %get3A_235 = arith.constant 0 : index
      %get3A_236 = vector.load %arg16[%get3A_234, %get3A_235] : memref<1x768xf32, #tpu.memory_space<vmem>>, vector<1x768xf32>
      %add3A_237 = vector.broadcast %get3A_236 : vector<1x768xf32> to vector<8x768xf32>
      %add3A_238 = arith.addf %dot_general3A_233, %add3A_237 : vector<8x768xf32>
      %swap3A_239 = arith.constant 0 : index
      %swap3A_240 = arith.constant 0 : index
      %swap3A_241 = vector.load %arg24[%swap3A_239, %swap3A_240] : memref<8x768xf32, #tpu.memory_space<vmem>>, vector<8x768xf32>
      tpu.vector_store %arg24[%swap3A_239, %swap3A_240], %add3A_238 {strides = array<i32>} : memref<8x768xf32, #tpu.memory_space<vmem>>, vector<8x768xf32>,
    } else {
    }
    %get3A = arith.constant 0 : index
    %get3A_2 = arith.constant 0 : index
    %get3A_3 = vector.load %arg24[%get3A, %get3A_2] : memref<8x768xf32, #tpu.memory_space<vmem>>, vector<8x768xf32>
    %get3A_4 = arith.constant 0 : index
    %get3A_5 = arith.constant 0 : index
    %get3A_6 = vector.load %arg17[%get3A_4, %get3A_5] : memref<768x3200xf32, #tpu.memory_space<vmem>>, vector<768x3200xf32>
    %dot_general3A = arith.constant dense<0.000000e+00> : vector<8x3200xf32>
    %dot_general3A_7 = tpu.matmul %get3A_3, %get3A_6, %dot_general3A {dimension_numbers = #tpu.dot_dimension_numbers<[1], [0], [0], [1], [0, 0, 1, 1], [], []>, transpose_lhs_hint = false} : vector<8x768xf32>, vector<768x3200xf32>, vector<8x3200xf32> -> vector<8x3200xf32>
    %get3A_8 = arith.constant 0 : index
    %get3A_9 = arith.constant 0 : index
    %get3A_10 = vector.load %arg18[%get3A_8, %get3A_9] : memref<1x3200xf32, #tpu.memory_space<vmem>>, vector<1x3200xf32>
    %add3A = vector.broadcast %get3A_10 : vector<1x3200xf32> to vector<8x3200xf32>
    %add3A_11 = arith.addf %dot_general3A_7, %add3A : vector<8x3200xf32>
    %swap3A = arith.constant 0 : index
    %swap3A_12 = arith.constant 0 : index
    %swap3A_13 = arith.constant 0 : index
    %swap3A_14 = vector.load %arg20[%swap3A, %swap3A_12, %swap3A_13] : memref<1x8x3200xf32, #tpu.memory_space<vmem>>, vector<1x8x3200xf32>
    %swap3A_15 = vector.shape_cast %swap3A_14 : vector<1x8x3200xf32> to vector<8x3200xf32>
    %swap3A_16 = vector.shape_cast %add3A_11 : vector<8x3200xf32> to vector<1x8x3200xf32>
    tpu.vector_store %arg20[%swap3A, %swap3A_12, %swap3A_13], %swap3A_16 {strides = array<i32>} : memref<1x8x3200xf32, #tpu.memory_space<vmem>>, vector<1x8x3200xf32>,
    %iota3A = tpu.iota {dimensions = array<i32: 1>} : vector<8x3200xi32>
    %reduce_max3A = arith.constant dense<0xFF800000> : vector<8xf32>
    %reduce_max3A_17 = vector.multi_reduction <maximumf>, %add3A_11, %reduce_max3A [1] : vector<8x3200xf32> to vector<8xf32>
    %broadcast_in_dim3A = vector.shape_cast %reduce_max3A_17 : vector<8xf32> to vector<8x1xf32>
    %eq3A_18 = vector.broadcast %broadcast_in_dim3A : vector<8x1xf32> to vector<8x3200xf32>
    %eq3A_19 = arith.cmpf oeq, %add3A_11, %eq3A_18 : vector<8x3200xf32>
    %jit3A = arith.constant 3200 : i32
    %broadcast_in_dim3A_20 = vector.broadcast %jit3A : i32 to vector<8x3200xi32>
    %select_n3A = arith.select %eq3A_19, %iota3A, %broadcast_in_dim3A_20 : vector<8x3200xi1>, vector<8x3200xi32>
    %reduce_min3A = arith.constant dense<2147483647> : vector<8xi32>
    %reduce_min3A_21 = vector.multi_reduction <minsi>, %select_n3A, %reduce_min3A [1] : vector<8x3200xi32> to vector<8xi32>
    %broadcast_in_dim3A_22 = vector.shape_cast %reduce_min3A_21 : vector<8xi32> to vector<8x1xi32>
    %iota3A_23 = tpu.iota {dimensions = array<i32: 1>} : vector<8x128xi32>
    %eq3A_24 = vector.broadcast %arg1 : i32 to vector<8x128xi32>
    %eq3A_25 = arith.cmpi eq, %iota3A_23, %eq3A_24 : vector<8x128xi32>
    %get3A_26 = arith.constant 0 : index
    %get3A_27 = arith.constant 0 : index
    %get3A_28 = vector.load %arg30[%get3A_26, %get3A_27] : memref<8x128xf32, #tpu.memory_space<vmem>>, vector<8x128xf32>
    %broadcast_in_dim3A_29 = vector.shape_cast %broadcast_in_dim3A : vector<8x1xf32> to vector<8x1xf32>
    %broadcast_in_dim3A_30 = vector.broadcast %broadcast_in_dim3A_29 : vector<8x1xf32> to vector<8x128xf32>
    %select_n3A_31 = arith.select %eq3A_25, %broadcast_in_dim3A_30, %get3A_28 : vector<8x128xi1>, vector<8x128xf32>
    %swap3A_32 = arith.constant 0 : index
    %swap3A_33 = arith.constant 0 : index
    %swap3A_34 = vector.load %arg30[%swap3A_32, %swap3A_33] : memref<8x128xf32, #tpu.memory_space<vmem>>, vector<8x128xf32>
    tpu.vector_store %arg30[%swap3A_32, %swap3A_33], %select_n3A_31 {strides = array<i32>} : memref<8x128xf32, #tpu.memory_space<vmem>>, vector<8x128xf32>,
    %mul3A = arith.constant 3200 : i32
    %mul3A_35 = arith.muli %arg1, %mul3A : i32
    %add3A_36 = vector.broadcast %mul3A_35 : i32 to vector<8x1xi32>
    %add3A_37 = arith.addi %broadcast_in_dim3A_22, %add3A_36 : vector<8x1xi32>
    %get3A_38 = arith.constant 0 : index
    %get3A_39 = arith.constant 0 : index
    %get3A_40 = vector.load %arg31[%get3A_38, %get3A_39] : memref<8x128xi32, #tpu.memory_space<vmem>>, vector<8x128xi32>
    %broadcast_in_dim3A_41 = vector.shape_cast %add3A_37 : vector<8x1xi32> to vector<8x1xi32>
    %broadcast_in_dim3A_42 = vector.broadcast %broadcast_in_dim3A_41 : vector<8x1xi32> to vector<8x128xi32>
    %select_n3A_43 = arith.select %eq3A_25, %broadcast_in_dim3A_42, %get3A_40 : vector<8x128xi1>, vector<8x128xi32>
    %swap3A_44 = arith.constant 0 : index
    %swap3A_45 = arith.constant 0 : index
    %swap3A_46 = vector.load %arg31[%swap3A_44, %swap3A_45] : memref<8x128xi32, #tpu.memory_space<vmem>>, vector<8x128xi32>
    tpu.vector_store %arg31[%swap3A_44, %swap3A_45], %select_n3A_43 {strides = array<i32>} : memref<8x128xi32, #tpu.memory_space<vmem>>, vector<8x128xi32>,
    %eq3A_47 = arith.constant 4 : i32
    %eq3A_48 = arith.cmpi eq, %arg1, %eq3A_47 : i32
    %convert_element_type3A_49 = arith.extui %eq3A_48 : i1 to i32
    %cond3A_50 = arith.constant 0 : i32
    %cond3A_51 = arith.cmpi ne, %convert_element_type3A_49, %cond3A_50 : i32
    scf.if %cond3A_51 {
      %get3A_52 = arith.constant 0 : index
      %get3A_53 = arith.constant 0 : index
      %get3A_54 = vector.load %arg30[%get3A_52, %get3A_53] : memref<8x128xf32, #tpu.memory_space<vmem>>, vector<8x128xf32>
      %reduce_max3A_55 = arith.constant dense<0xFF800000> : vector<8xf32>
      %reduce_max3A_56 = vector.multi_reduction <maximumf>, %get3A_54, %reduce_max3A_55 [1] : vector<8x128xf32> to vector<8xf32>
      %broadcast_in_dim3A_57 = vector.shape_cast %reduce_max3A_56 : vector<8xf32> to vector<8x1xf32>
      %get3A_58 = arith.constant 0 : index
      %get3A_59 = arith.constant 0 : index
      %get3A_60 = vector.load %arg30[%get3A_58, %get3A_59] : memref<8x128xf32, #tpu.memory_space<vmem>>, vector<8x128xf32>
      %eq3A_61 = vector.broadcast %broadcast_in_dim3A_57 : vector<8x1xf32> to vector<8x128xf32>
      %eq3A_62 = arith.cmpf oeq, %get3A_60, %eq3A_61 : vector<8x128xf32>
      %jit3A_63 = arith.constant 128 : i32
      %broadcast_in_dim3A_64 = vector.broadcast %jit3A_63 : i32 to vector<8x128xi32>
      %select_n3A_65 = arith.select %eq3A_62, %iota3A_23, %broadcast_in_dim3A_64 : vector<8x128xi1>, vector<8x128xi32>
      %reduce_min3A_66 = arith.constant dense<2147483647> : vector<8xi32>
      %reduce_min3A_67 = vector.multi_reduction <minsi>, %select_n3A_65, %reduce_min3A_66 [1] : vector<8x128xi32> to vector<8xi32>
      %broadcast_in_dim3A_68 = vector.shape_cast %reduce_min3A_67 : vector<8xi32> to vector<8x1xi32>
      %eq3A_69 = vector.broadcast %broadcast_in_dim3A_68 : vector<8x1xi32> to vector<8x128xi32>
      %eq3A_70 = arith.cmpi eq, %iota3A_23, %eq3A_69 : vector<8x128xi32>
      %get3A_71 = arith.constant 0 : index
      %get3A_72 = arith.constant 0 : index
      %get3A_73 = vector.load %arg31[%get3A_71, %get3A_72] : memref<8x128xi32, #tpu.memory_space<vmem>>, vector<8x128xi32>
      %jit3A_74 = arith.constant 0 : i32
      %broadcast_in_dim3A_75 = vector.broadcast %jit3A_74 : i32 to vector<8x128xi32>
      %select_n3A_76 = arith.select %eq3A_70, %get3A_73, %broadcast_in_dim3A_75 : vector<8x128xi1>, vector<8x128xi32>
      %reduce_sum3A = arith.constant dense<0> : vector<8xi32>
      %reduce_sum3A_77 = vector.multi_reduction <add>, %select_n3A_76, %reduce_sum3A [1] : vector<8x128xi32> to vector<8xi32>
      %broadcast_in_dim3A_78 = vector.shape_cast %reduce_sum3A_77 : vector<8xi32> to vector<8x1xi32>
      %swap3A_79 = arith.constant 0 : index
      %swap3A_80 = arith.constant 0 : index
      %swap3A_81 = vector.load %arg33[%swap3A_79, %swap3A_80] : memref<8x1xi32, #tpu.memory_space<vmem>>, vector<8x1xi32>
      tpu.vector_store %arg33[%swap3A_79, %swap3A_80], %broadcast_in_dim3A_78 {strides = array<i32>} : memref<8x1xi32, #tpu.memory_space<vmem>>, vector<8x1xi32>,
      tpu.enqueue_dma source(%arg33 : memref<8x1xi32, #tpu.memory_space<vmem>>) target(%arg34 : memref<8x1xi32, #tpu.memory_space<smem>>) target_semaphore(%arg36 : memref<!tpu.dma_semaphore, #tpu.memory_space<semaphore_mem>>)
      tpu.wait_dma2 semaphore(%arg36 : memref<!tpu.dma_semaphore, #tpu.memory_space<semaphore_mem>>) src(%arg33 : memref<8x1xi32, #tpu.memory_space<vmem>>) dst(%arg34 : memref<8x1xi32, #tpu.memory_space<smem>>)
      %eq3A_82 = arith.constant 0 : i32
      %eq3A_83 = arith.cmpi eq, %arg0, %eq3A_82 : i32
      %convert_element_type3A_84 = arith.extui %eq3A_83 : i1 to i32
      %cond3A_85 = arith.constant 0 : i32
      %cond3A_86 = arith.cmpi ne, %convert_element_type3A_84, %cond3A_85 : i32
      scf.if %cond3A_86 {
        %swap3A_155 = arith.constant 1 : i32
        %swap3A_156 = arith.constant 0 : index
        %swap3A_157 = arith.constant 0 : index
        %swap3A_158 = memref.load %arg21[%swap3A_156, %swap3A_157] : memref<8x17xi32, #tpu.memory_space<smem>>
        memref.store %swap3A_155, %arg21[%swap3A_156, %swap3A_157] : memref<8x17xi32, #tpu.memory_space<smem>>
        %swap3A_159 = arith.constant 1 : i32
        %swap3A_160 = arith.constant 1 : index
        %swap3A_161 = arith.constant 0 : index
        %swap3A_162 = memref.load %arg21[%swap3A_160, %swap3A_161] : memref<8x17xi32, #tpu.memory_space<smem>>
        memref.store %swap3A_159, %arg21[%swap3A_160, %swap3A_161] : memref<8x17xi32, #tpu.memory_space<smem>>
        %swap3A_163 = arith.constant 1 : i32
        %swap3A_164 = arith.constant 2 : index
        %swap3A_165 = arith.constant 0 : index
        %swap3A_166 = memref.load %arg21[%swap3A_164, %swap3A_165] : memref<8x17xi32, #tpu.memory_space<smem>>
        memref.store %swap3A_163, %arg21[%swap3A_164, %swap3A_165] : memref<8x17xi32, #tpu.memory_space<smem>>
        %swap3A_167 = arith.constant 1 : i32
        %swap3A_168 = arith.constant 3 : index
        %swap3A_169 = arith.constant 0 : index
        %swap3A_170 = memref.load %arg21[%swap3A_168, %swap3A_169] : memref<8x17xi32, #tpu.memory_space<smem>>
        memref.store %swap3A_167, %arg21[%swap3A_168, %swap3A_169] : memref<8x17xi32, #tpu.memory_space<smem>>
        %swap3A_171 = arith.constant 1 : i32
        %swap3A_172 = arith.constant 4 : index
        %swap3A_173 = arith.constant 0 : index
        %swap3A_174 = memref.load %arg21[%swap3A_172, %swap3A_173] : memref<8x17xi32, #tpu.memory_space<smem>>
        memref.store %swap3A_171, %arg21[%swap3A_172, %swap3A_173] : memref<8x17xi32, #tpu.memory_space<smem>>
        %swap3A_175 = arith.constant 1 : i32
        %swap3A_176 = arith.constant 5 : index
        %swap3A_177 = arith.constant 0 : index
        %swap3A_178 = memref.load %arg21[%swap3A_176, %swap3A_177] : memref<8x17xi32, #tpu.memory_space<smem>>
        memref.store %swap3A_175, %arg21[%swap3A_176, %swap3A_177] : memref<8x17xi32, #tpu.memory_space<smem>>
        %swap3A_179 = arith.constant 1 : i32
        %swap3A_180 = arith.constant 6 : index
        %swap3A_181 = arith.constant 0 : index
        %swap3A_182 = memref.load %arg21[%swap3A_180, %swap3A_181] : memref<8x17xi32, #tpu.memory_space<smem>>
        memref.store %swap3A_179, %arg21[%swap3A_180, %swap3A_181] : memref<8x17xi32, #tpu.memory_space<smem>>
        %swap3A_183 = arith.constant 1 : i32
        %swap3A_184 = arith.constant 7 : index
        %swap3A_185 = arith.constant 0 : index
        %swap3A_186 = memref.load %arg21[%swap3A_184, %swap3A_185] : memref<8x17xi32, #tpu.memory_space<smem>>
        memref.store %swap3A_183, %arg21[%swap3A_184, %swap3A_185] : memref<8x17xi32, #tpu.memory_space<smem>>
      } else {
      }
      %get3A_87 = arith.constant 0 : index
      %get3A_88 = arith.constant 0 : index
      %get3A_89 = memref.load %arg34[%get3A_87, %get3A_88] : memref<8x1xi32, #tpu.memory_space<smem>>
      %add3A_90 = arith.constant 1 : i32
      %add3A_91 = arith.addi %arg0, %add3A_90 : i32
      %swap3A_92 = arith.constant 0 : index
      %swap3A_93 = arith.index_cast %add3A_91 : i32 to index
      %swap3A_94 = memref.load %arg21[%swap3A_92, %swap3A_93] : memref<8x17xi32, #tpu.memory_space<smem>>
      memref.store %get3A_89, %arg21[%swap3A_92, %swap3A_93] : memref<8x17xi32, #tpu.memory_space<smem>>
      %get3A_95 = arith.constant 1 : index
      %get3A_96 = arith.constant 0 : index
      %get3A_97 = memref.load %arg34[%get3A_95, %get3A_96] : memref<8x1xi32, #tpu.memory_space<smem>>
      %add3A_98 = arith.constant 1 : i32
      %add3A_99 = arith.addi %arg0, %add3A_98 : i32
      %swap3A_100 = arith.constant 1 : index
      %swap3A_101 = arith.index_cast %add3A_99 : i32 to index
      %swap3A_102 = memref.load %arg21[%swap3A_100, %swap3A_101] : memref<8x17xi32, #tpu.memory_space<smem>>
      memref.store %get3A_97, %arg21[%swap3A_100, %swap3A_101] : memref<8x17xi32, #tpu.memory_space<smem>>
      %get3A_103 = arith.constant 2 : index
      %get3A_104 = arith.constant 0 : index
      %get3A_105 = memref.load %arg34[%get3A_103, %get3A_104] : memref<8x1xi32, #tpu.memory_space<smem>>
      %add3A_106 = arith.constant 1 : i32
      %add3A_107 = arith.addi %arg0, %add3A_106 : i32
      %swap3A_108 = arith.constant 2 : index
      %swap3A_109 = arith.index_cast %add3A_107 : i32 to index
      %swap3A_110 = memref.load %arg21[%swap3A_108, %swap3A_109] : memref<8x17xi32, #tpu.memory_space<smem>>
      memref.store %get3A_105, %arg21[%swap3A_108, %swap3A_109] : memref<8x17xi32, #tpu.memory_space<smem>>
      %get3A_111 = arith.constant 3 : index
      %get3A_112 = arith.constant 0 : index
      %get3A_113 = memref.load %arg34[%get3A_111, %get3A_112] : memref<8x1xi32, #tpu.memory_space<smem>>
      %add3A_114 = arith.constant 1 : i32
      %add3A_115 = arith.addi %arg0, %add3A_114 : i32
      %swap3A_116 = arith.constant 3 : index
      %swap3A_117 = arith.index_cast %add3A_115 : i32 to index
      %swap3A_118 = memref.load %arg21[%swap3A_116, %swap3A_117] : memref<8x17xi32, #tpu.memory_space<smem>>
      memref.store %get3A_113, %arg21[%swap3A_116, %swap3A_117] : memref<8x17xi32, #tpu.memory_space<smem>>
      %get3A_119 = arith.constant 4 : index
      %get3A_120 = arith.constant 0 : index
      %get3A_121 = memref.load %arg34[%get3A_119, %get3A_120] : memref<8x1xi32, #tpu.memory_space<smem>>
      %add3A_122 = arith.constant 1 : i32
      %add3A_123 = arith.addi %arg0, %add3A_122 : i32
      %swap3A_124 = arith.constant 4 : index
      %swap3A_125 = arith.index_cast %add3A_123 : i32 to index
      %swap3A_126 = memref.load %arg21[%swap3A_124, %swap3A_125] : memref<8x17xi32, #tpu.memory_space<smem>>
      memref.store %get3A_121, %arg21[%swap3A_124, %swap3A_125] : memref<8x17xi32, #tpu.memory_space<smem>>
      %get3A_127 = arith.constant 5 : index
      %get3A_128 = arith.constant 0 : index
      %get3A_129 = memref.load %arg34[%get3A_127, %get3A_128] : memref<8x1xi32, #tpu.memory_space<smem>>
      %add3A_130 = arith.constant 1 : i32
      %add3A_131 = arith.addi %arg0, %add3A_130 : i32
      %swap3A_132 = arith.constant 5 : index
      %swap3A_133 = arith.index_cast %add3A_131 : i32 to index
      %swap3A_134 = memref.load %arg21[%swap3A_132, %swap3A_133] : memref<8x17xi32, #tpu.memory_space<smem>>
      memref.store %get3A_129, %arg21[%swap3A_132, %swap3A_133] : memref<8x17xi32, #tpu.memory_space<smem>>
      %get3A_135 = arith.constant 6 : index
      %get3A_136 = arith.constant 0 : index
      %get3A_137 = memref.load %arg34[%get3A_135, %get3A_136] : memref<8x1xi32, #tpu.memory_space<smem>>
      %add3A_138 = arith.constant 1 : i32
      %add3A_139 = arith.addi %arg0, %add3A_138 : i32
      %swap3A_140 = arith.constant 6 : index
      %swap3A_141 = arith.index_cast %add3A_139 : i32 to index
      %swap3A_142 = memref.load %arg21[%swap3A_140, %swap3A_141] : memref<8x17xi32, #tpu.memory_space<smem>>
      memref.store %get3A_137, %arg21[%swap3A_140, %swap3A_141] : memref<8x17xi32, #tpu.memory_space<smem>>
      %get3A_143 = arith.constant 7 : index
      %get3A_144 = arith.constant 0 : index
      %get3A_145 = memref.load %arg34[%get3A_143, %get3A_144] : memref<8x1xi32, #tpu.memory_space<smem>>
      %add3A_146 = arith.constant 1 : i32
      %add3A_147 = arith.addi %arg0, %add3A_146 : i32
      %swap3A_148 = arith.constant 7 : index
      %swap3A_149 = arith.index_cast %add3A_147 : i32 to index
      %swap3A_150 = memref.load %arg21[%swap3A_148, %swap3A_149] : memref<8x17xi32, #tpu.memory_space<smem>>
      memref.store %get3A_145, %arg21[%swap3A_148, %swap3A_149] : memref<8x17xi32, #tpu.memory_space<smem>>
      %lt3A = arith.constant 15 : i32
      %lt3A_151 = arith.cmpi slt, %arg0, %lt3A : i32
      %convert_element_type3A_152 = arith.extui %lt3A_151 : i1 to i32
      %cond3A_153 = arith.constant 0 : i32
      %cond3A_154 = arith.cmpi ne, %convert_element_type3A_152, %cond3A_153 : i32
      scf.if %cond3A_154 {
        %get3A_155 = arith.constant 0 : index
        %get3A_156 = arith.constant 0 : index
        %get3A_157 = memref.load %arg34[%get3A_155, %get3A_156] : memref<8x1xi32, #tpu.memory_space<smem>>
        %dma_start3A = arith.constant 0 : i32
        %dma_start3A_158 = arith.constant 0 : i32
        %dma_start3A_159 = tpu.memref_slice %arg25[%dma_start3A, %dma_start3A_158] : memref<8x512xf32, #tpu.memory_space<vmem>> -> memref<1x512xf32, #tpu.memory_space<vmem>>
        %dma_start3A_160 = arith.constant 0 : i32
        %dma_start3A_161 = tpu.memref_slice %arg19[%get3A_157, %dma_start3A_160] : memref<16000x512xf32, #tpu.memory_space<any>> -> memref<1x512xf32, #tpu.memory_space<any>>
        tpu.enqueue_dma source(%dma_start3A_161 : memref<1x512xf32, #tpu.memory_space<any>>) target(%dma_start3A_159 : memref<1x512xf32, #tpu.memory_space<vmem>>) target_semaphore(%arg35 : memref<!tpu.dma_semaphore, #tpu.memory_space<semaphore_mem>>)
        %get3A_162 = arith.constant 1 : index
        %get3A_163 = arith.constant 0 : index
        %get3A_164 = memref.load %arg34[%get3A_162, %get3A_163] : memref<8x1xi32, #tpu.memory_space<smem>>
        %dma_start3A_165 = arith.constant 1 : i32
        %dma_start3A_166 = arith.constant 0 : i32
        %dma_start3A_167 = tpu.memref_slice %arg25[%dma_start3A_165, %dma_start3A_166] : memref<8x512xf32, #tpu.memory_space<vmem>> -> memref<1x512xf32, #tpu.memory_space<vmem>>
        %dma_start3A_168 = arith.constant 0 : i32
        %dma_start3A_169 = tpu.memref_slice %arg19[%get3A_164, %dma_start3A_168] : memref<16000x512xf32, #tpu.memory_space<any>> -> memref<1x512xf32, #tpu.memory_space<any>>
        tpu.enqueue_dma source(%dma_start3A_169 : memref<1x512xf32, #tpu.memory_space<any>>) target(%dma_start3A_167 : memref<1x512xf32, #tpu.memory_space<vmem>>) target_semaphore(%arg35 : memref<!tpu.dma_semaphore, #tpu.memory_space<semaphore_mem>>)
        %get3A_170 = arith.constant 2 : index
        %get3A_171 = arith.constant 0 : index
        %get3A_172 = memref.load %arg34[%get3A_170, %get3A_171] : memref<8x1xi32, #tpu.memory_space<smem>>
        %dma_start3A_173 = arith.constant 2 : i32
        %dma_start3A_174 = arith.constant 0 : i32
        %dma_start3A_175 = tpu.memref_slice %arg25[%dma_start3A_173, %dma_start3A_174] : memref<8x512xf32, #tpu.memory_space<vmem>> -> memref<1x512xf32, #tpu.memory_space<vmem>>
        %dma_start3A_176 = arith.constant 0 : i32
        %dma_start3A_177 = tpu.memref_slice %arg19[%get3A_172, %dma_start3A_176] : memref<16000x512xf32, #tpu.memory_space<any>> -> memref<1x512xf32, #tpu.memory_space<any>>
        tpu.enqueue_dma source(%dma_start3A_177 : memref<1x512xf32, #tpu.memory_space<any>>) target(%dma_start3A_175 : memref<1x512xf32, #tpu.memory_space<vmem>>) target_semaphore(%arg35 : memref<!tpu.dma_semaphore, #tpu.memory_space<semaphore_mem>>)
        %get3A_178 = arith.constant 3 : index
        %get3A_179 = arith.constant 0 : index
        %get3A_180 = memref.load %arg34[%get3A_178, %get3A_179] : memref<8x1xi32, #tpu.memory_space<smem>>
        %dma_start3A_181 = arith.constant 3 : i32
        %dma_start3A_182 = arith.constant 0 : i32
        %dma_start3A_183 = tpu.memref_slice %arg25[%dma_start3A_181, %dma_start3A_182] : memref<8x512xf32, #tpu.memory_space<vmem>> -> memref<1x512xf32, #tpu.memory_space<vmem>>
        %dma_start3A_184 = arith.constant 0 : i32
        %dma_start3A_185 = tpu.memref_slice %arg19[%get3A_180, %dma_start3A_184] : memref<16000x512xf32, #tpu.memory_space<any>> -> memref<1x512xf32, #tpu.memory_space<any>>
        tpu.enqueue_dma source(%dma_start3A_185 : memref<1x512xf32, #tpu.memory_space<any>>) target(%dma_start3A_183 : memref<1x512xf32, #tpu.memory_space<vmem>>) target_semaphore(%arg35 : memref<!tpu.dma_semaphore, #tpu.memory_space<semaphore_mem>>)
        %get3A_186 = arith.constant 4 : index
        %get3A_187 = arith.constant 0 : index
        %get3A_188 = memref.load %arg34[%get3A_186, %get3A_187] : memref<8x1xi32, #tpu.memory_space<smem>>
        %dma_start3A_189 = arith.constant 4 : i32
        %dma_start3A_190 = arith.constant 0 : i32
        %dma_start3A_191 = tpu.memref_slice %arg25[%dma_start3A_189, %dma_start3A_190] : memref<8x512xf32, #tpu.memory_space<vmem>> -> memref<1x512xf32, #tpu.memory_space<vmem>>
        %dma_start3A_192 = arith.constant 0 : i32
        %dma_start3A_193 = tpu.memref_slice %arg19[%get3A_188, %dma_start3A_192] : memref<16000x512xf32, #tpu.memory_space<any>> -> memref<1x512xf32, #tpu.memory_space<any>>
        tpu.enqueue_dma source(%dma_start3A_193 : memref<1x512xf32, #tpu.memory_space<any>>) target(%dma_start3A_191 : memref<1x512xf32, #tpu.memory_space<vmem>>) target_semaphore(%arg35 : memref<!tpu.dma_semaphore, #tpu.memory_space<semaphore_mem>>)
        %get3A_194 = arith.constant 5 : index
        %get3A_195 = arith.constant 0 : index
        %get3A_196 = memref.load %arg34[%get3A_194, %get3A_195] : memref<8x1xi32, #tpu.memory_space<smem>>
        %dma_start3A_197 = arith.constant 5 : i32
        %dma_start3A_198 = arith.constant 0 : i32
        %dma_start3A_199 = tpu.memref_slice %arg25[%dma_start3A_197, %dma_start3A_198] : memref<8x512xf32, #tpu.memory_space<vmem>> -> memref<1x512xf32, #tpu.memory_space<vmem>>
        %dma_start3A_200 = arith.constant 0 : i32
        %dma_start3A_201 = tpu.memref_slice %arg19[%get3A_196, %dma_start3A_200] : memref<16000x512xf32, #tpu.memory_space<any>> -> memref<1x512xf32, #tpu.memory_space<any>>
        tpu.enqueue_dma source(%dma_start3A_201 : memref<1x512xf32, #tpu.memory_space<any>>) target(%dma_start3A_199 : memref<1x512xf32, #tpu.memory_space<vmem>>) target_semaphore(%arg35 : memref<!tpu.dma_semaphore, #tpu.memory_space<semaphore_mem>>)
        %get3A_202 = arith.constant 6 : index
        %get3A_203 = arith.constant 0 : index
        %get3A_204 = memref.load %arg34[%get3A_202, %get3A_203] : memref<8x1xi32, #tpu.memory_space<smem>>
        %dma_start3A_205 = arith.constant 6 : i32
        %dma_start3A_206 = arith.constant 0 : i32
        %dma_start3A_207 = tpu.memref_slice %arg25[%dma_start3A_205, %dma_start3A_206] : memref<8x512xf32, #tpu.memory_space<vmem>> -> memref<1x512xf32, #tpu.memory_space<vmem>>
        %dma_start3A_208 = arith.constant 0 : i32
        %dma_start3A_209 = tpu.memref_slice %arg19[%get3A_204, %dma_start3A_208] : memref<16000x512xf32, #tpu.memory_space<any>> -> memref<1x512xf32, #tpu.memory_space<any>>
        tpu.enqueue_dma source(%dma_start3A_209 : memref<1x512xf32, #tpu.memory_space<any>>) target(%dma_start3A_207 : memref<1x512xf32, #tpu.memory_space<vmem>>) target_semaphore(%arg35 : memref<!tpu.dma_semaphore, #tpu.memory_space<semaphore_mem>>)
        %get3A_210 = arith.constant 7 : index
        %get3A_211 = arith.constant 0 : index
        %get3A_212 = memref.load %arg34[%get3A_210, %get3A_211] : memref<8x1xi32, #tpu.memory_space<smem>>
        %dma_start3A_213 = arith.constant 7 : i32
        %dma_start3A_214 = arith.constant 0 : i32
        %dma_start3A_215 = tpu.memref_slice %arg25[%dma_start3A_213, %dma_start3A_214] : memref<8x512xf32, #tpu.memory_space<vmem>> -> memref<1x512xf32, #tpu.memory_space<vmem>>
        %dma_start3A_216 = arith.constant 0 : i32
        %dma_start3A_217 = tpu.memref_slice %arg19[%get3A_212, %dma_start3A_216] : memref<16000x512xf32, #tpu.memory_space<any>> -> memref<1x512xf32, #tpu.memory_space<any>>
        tpu.enqueue_dma source(%dma_start3A_217 : memref<1x512xf32, #tpu.memory_space<any>>) target(%dma_start3A_215 : memref<1x512xf32, #tpu.memory_space<vmem>>) target_semaphore(%arg35 : memref<!tpu.dma_semaphore, #tpu.memory_space<semaphore_mem>>)
        %get3A_218 = arith.constant 0 : index
        %get3A_219 = arith.constant 0 : index
        %get3A_220 = memref.load %arg34[%get3A_218, %get3A_219] : memref<8x1xi32, #tpu.memory_space<smem>>
        %dma_wait3A = arith.constant 0 : i32
        %dma_wait3A_221 = arith.constant 0 : i32
        %dma_wait3A_222 = tpu.memref_slice %arg25[%dma_wait3A, %dma_wait3A_221] : memref<8x512xf32, #tpu.memory_space<vmem>> -> memref<1x512xf32, #tpu.memory_space<vmem>>
        %dma_wait3A_223 = arith.constant 0 : i32
        %dma_wait3A_224 = tpu.memref_slice %arg19[%get3A_220, %dma_wait3A_223] : memref<16000x512xf32, #tpu.memory_space<any>> -> memref<1x512xf32, #tpu.memory_space<any>>
        tpu.wait_dma2 semaphore(%arg35 : memref<!tpu.dma_semaphore, #tpu.memory_space<semaphore_mem>>) src(%dma_wait3A_224 : memref<1x512xf32, #tpu.memory_space<any>>) dst(%dma_wait3A_222 : memref<1x512xf32, #tpu.memory_space<vmem>>)
        %get3A_225 = arith.constant 1 : index
        %get3A_226 = arith.constant 0 : index
        %get3A_227 = memref.load %arg34[%get3A_225, %get3A_226] : memref<8x1xi32, #tpu.memory_space<smem>>
        %dma_wait3A_228 = arith.constant 1 : i32
        %dma_wait3A_229 = arith.constant 0 : i32
        %dma_wait3A_230 = tpu.memref_slice %arg25[%dma_wait3A_228, %dma_wait3A_229] : memref<8x512xf32, #tpu.memory_space<vmem>> -> memref<1x512xf32, #tpu.memory_space<vmem>>
        %dma_wait3A_231 = arith.constant 0 : i32
        %dma_wait3A_232 = tpu.memref_slice %arg19[%get3A_227, %dma_wait3A_231] : memref<16000x512xf32, #tpu.memory_space<any>> -> memref<1x512xf32, #tpu.memory_space<any>>
        tpu.wait_dma2 semaphore(%arg35 : memref<!tpu.dma_semaphore, #tpu.memory_space<semaphore_mem>>) src(%dma_wait3A_232 : memref<1x512xf32, #tpu.memory_space<any>>) dst(%dma_wait3A_230 : memref<1x512xf32, #tpu.memory_space<vmem>>)
        %get3A_233 = arith.constant 2 : index
        %get3A_234 = arith.constant 0 : index
        %get3A_235 = memref.load %arg34[%get3A_233, %get3A_234] : memref<8x1xi32, #tpu.memory_space<smem>>
        %dma_wait3A_236 = arith.constant 2 : i32
        %dma_wait3A_237 = arith.constant 0 : i32
        %dma_wait3A_238 = tpu.memref_slice %arg25[%dma_wait3A_236, %dma_wait3A_237] : memref<8x512xf32, #tpu.memory_space<vmem>> -> memref<1x512xf32, #tpu.memory_space<vmem>>
        %dma_wait3A_239 = arith.constant 0 : i32
        %dma_wait3A_240 = tpu.memref_slice %arg19[%get3A_235, %dma_wait3A_239] : memref<16000x512xf32, #tpu.memory_space<any>> -> memref<1x512xf32, #tpu.memory_space<any>>
        tpu.wait_dma2 semaphore(%arg35 : memref<!tpu.dma_semaphore, #tpu.memory_space<semaphore_mem>>) src(%dma_wait3A_240 : memref<1x512xf32, #tpu.memory_space<any>>) dst(%dma_wait3A_238 : memref<1x512xf32, #tpu.memory_space<vmem>>)
        %get3A_241 = arith.constant 3 : index
        %get3A_242 = arith.constant 0 : index
        %get3A_243 = memref.load %arg34[%get3A_241, %get3A_242] : memref<8x1xi32, #tpu.memory_space<smem>>
        %dma_wait3A_244 = arith.constant 3 : i32
        %dma_wait3A_245 = arith.constant 0 : i32
        %dma_wait3A_246 = tpu.memref_slice %arg25[%dma_wait3A_244, %dma_wait3A_245] : memref<8x512xf32, #tpu.memory_space<vmem>> -> memref<1x512xf32, #tpu.memory_space<vmem>>
        %dma_wait3A_247 = arith.constant 0 : i32
        %dma_wait3A_248 = tpu.memref_slice %arg19[%get3A_243, %dma_wait3A_247] : memref<16000x512xf32, #tpu.memory_space<any>> -> memref<1x512xf32, #tpu.memory_space<any>>
        tpu.wait_dma2 semaphore(%arg35 : memref<!tpu.dma_semaphore, #tpu.memory_space<semaphore_mem>>) src(%dma_wait3A_248 : memref<1x512xf32, #tpu.memory_space<any>>) dst(%dma_wait3A_246 : memref<1x512xf32, #tpu.memory_space<vmem>>)
        %get3A_249 = arith.constant 4 : index
        %get3A_250 = arith.constant 0 : index
        %get3A_251 = memref.load %arg34[%get3A_249, %get3A_250] : memref<8x1xi32, #tpu.memory_space<smem>>
        %dma_wait3A_252 = arith.constant 4 : i32
        %dma_wait3A_253 = arith.constant 0 : i32
        %dma_wait3A_254 = tpu.memref_slice %arg25[%dma_wait3A_252, %dma_wait3A_253] : memref<8x512xf32, #tpu.memory_space<vmem>> -> memref<1x512xf32, #tpu.memory_space<vmem>>
        %dma_wait3A_255 = arith.constant 0 : i32
        %dma_wait3A_256 = tpu.memref_slice %arg19[%get3A_251, %dma_wait3A_255] : memref<16000x512xf32, #tpu.memory_space<any>> -> memref<1x512xf32, #tpu.memory_space<any>>
        tpu.wait_dma2 semaphore(%arg35 : memref<!tpu.dma_semaphore, #tpu.memory_space<semaphore_mem>>) src(%dma_wait3A_256 : memref<1x512xf32, #tpu.memory_space<any>>) dst(%dma_wait3A_254 : memref<1x512xf32, #tpu.memory_space<vmem>>)
        %get3A_257 = arith.constant 5 : index
        %get3A_258 = arith.constant 0 : index
        %get3A_259 = memref.load %arg34[%get3A_257, %get3A_258] : memref<8x1xi32, #tpu.memory_space<smem>>
        %dma_wait3A_260 = arith.constant 5 : i32
        %dma_wait3A_261 = arith.constant 0 : i32
        %dma_wait3A_262 = tpu.memref_slice %arg25[%dma_wait3A_260, %dma_wait3A_261] : memref<8x512xf32, #tpu.memory_space<vmem>> -> memref<1x512xf32, #tpu.memory_space<vmem>>
        %dma_wait3A_263 = arith.constant 0 : i32
        %dma_wait3A_264 = tpu.memref_slice %arg19[%get3A_259, %dma_wait3A_263] : memref<16000x512xf32, #tpu.memory_space<any>> -> memref<1x512xf32, #tpu.memory_space<any>>
        tpu.wait_dma2 semaphore(%arg35 : memref<!tpu.dma_semaphore, #tpu.memory_space<semaphore_mem>>) src(%dma_wait3A_264 : memref<1x512xf32, #tpu.memory_space<any>>) dst(%dma_wait3A_262 : memref<1x512xf32, #tpu.memory_space<vmem>>)
        %get3A_265 = arith.constant 6 : index
        %get3A_266 = arith.constant 0 : index
        %get3A_267 = memref.load %arg34[%get3A_265, %get3A_266] : memref<8x1xi32, #tpu.memory_space<smem>>
        %dma_wait3A_268 = arith.constant 6 : i32
        %dma_wait3A_269 = arith.constant 0 : i32
        %dma_wait3A_270 = tpu.memref_slice %arg25[%dma_wait3A_268, %dma_wait3A_269] : memref<8x512xf32, #tpu.memory_space<vmem>> -> memref<1x512xf32, #tpu.memory_space<vmem>>
        %dma_wait3A_271 = arith.constant 0 : i32
        %dma_wait3A_272 = tpu.memref_slice %arg19[%get3A_267, %dma_wait3A_271] : memref<16000x512xf32, #tpu.memory_space<any>> -> memref<1x512xf32, #tpu.memory_space<any>>
        tpu.wait_dma2 semaphore(%arg35 : memref<!tpu.dma_semaphore, #tpu.memory_space<semaphore_mem>>) src(%dma_wait3A_272 : memref<1x512xf32, #tpu.memory_space<any>>) dst(%dma_wait3A_270 : memref<1x512xf32, #tpu.memory_space<vmem>>)
        %get3A_273 = arith.constant 7 : index
        %get3A_274 = arith.constant 0 : index
        %get3A_275 = memref.load %arg34[%get3A_273, %get3A_274] : memref<8x1xi32, #tpu.memory_space<smem>>
        %dma_wait3A_276 = arith.constant 7 : i32
        %dma_wait3A_277 = arith.constant 0 : i32
        %dma_wait3A_278 = tpu.memref_slice %arg25[%dma_wait3A_276, %dma_wait3A_277] : memref<8x512xf32, #tpu.memory_space<vmem>> -> memref<1x512xf32, #tpu.memory_space<vmem>>
        %dma_wait3A_279 = arith.constant 0 : i32
        %dma_wait3A_280 = tpu.memref_slice %arg19[%get3A_275, %dma_wait3A_279] : memref<16000x512xf32, #tpu.memory_space<any>> -> memref<1x512xf32, #tpu.memory_space<any>>
        tpu.wait_dma2 semaphore(%arg35 : memref<!tpu.dma_semaphore, #tpu.memory_space<semaphore_mem>>) src(%dma_wait3A_280 : memref<1x512xf32, #tpu.memory_space<any>>) dst(%dma_wait3A_278 : memref<1x512xf32, #tpu.memory_space<vmem>>)
        %get3A_281 = arith.constant 0 : index
        %get3A_282 = arith.constant 0 : index
        %get3A_283 = vector.load %arg25[%get3A_281, %get3A_282] : memref<8x512xf32, #tpu.memory_space<vmem>>, vector<8x512xf32>
        %get3A_284 = arith.constant 0 : index
        %get3A_285 = arith.constant 0 : index
        %get3A_286 = vector.load %arg5[%get3A_284, %get3A_285] : memref<512x3072xf32, #tpu.memory_space<vmem>>, vector<512x3072xf32>
        %dot_general3A_287 = arith.constant dense<0.000000e+00> : vector<8x3072xf32>
        %dot_general3A_288 = tpu.matmul %get3A_283, %get3A_286, %dot_general3A_287 {dimension_numbers = #tpu.dot_dimension_numbers<[1], [0], [0], [1], [0, 0, 1, 1], [], []>, transpose_lhs_hint = false} : vector<8x512xf32>, vector<512x3072xf32>, vector<8x3072xf32> -> vector<8x3072xf32>
        %swap3A_289 = arith.constant 0 : index
        %swap3A_290 = arith.constant 0 : index
        %swap3A_291 = vector.load %arg32[%swap3A_289, %swap3A_290] : memref<8x3072xf32, #tpu.memory_space<vmem>>, vector<8x3072xf32>
        tpu.vector_store %arg32[%swap3A_289, %swap3A_290], %dot_general3A_288 {strides = array<i32>} : memref<8x3072xf32, #tpu.memory_space<vmem>>, vector<8x3072xf32>,
      } else {
      }
    } else {
    }
    return
  }
  func.func @transform_0(%arg0: i32, %arg1: i32) -> (i32, i32) {
    %c0_i32 = arith.constant 0 : i32
    %c0_i32_0 = arith.constant 0 : i32
    %c0_i32_1 = arith.constant 0 : i32
    return %c0_i32, %c0_i32_0 : i32, i32
  }
  func.func @transform_1(%arg0: i32, %arg1: i32) -> (i32, i32) {
    %c0_i32 = arith.constant 0 : i32
    %c0_i32_0 = arith.constant 0 : i32
    %c0_i32_1 = arith.constant 0 : i32
    return %c0_i32, %c0_i32_0 : i32, i32
  }
  func.func @transform_2(%arg0: i32, %arg1: i32) -> (i32, i32) {
    %c0_i32 = arith.constant 0 : i32
    %c0_i32_0 = arith.constant 0 : i32
    %c0_i32_1 = arith.constant 0 : i32
    return %c0_i32, %c0_i32_0 : i32, i32
  }
  func.func @transform_3(%arg0: i32, %arg1: i32) -> (i32, i32) {
    %c0_i32 = arith.constant 0 : i32
    %c0_i32_0 = arith.constant 0 : i32
    %c0_i32_1 = arith.constant 0 : i32
    return %c0_i32, %c0_i32_0 : i32, i32
  }
  func.func @transform_4(%arg0: i32, %arg1: i32) -> (i32, i32) {
    %c0_i32 = arith.constant 0 : i32
    %c0_i32_0 = arith.constant 0 : i32
    %c0_i32_1 = arith.constant 0 : i32
    return %c0_i32, %c0_i32_0 : i32, i32
  }
  func.func @transform_5(%arg0: i32, %arg1: i32) -> (i32, i32) {
    %c0_i32 = arith.constant 0 : i32
    %c0_i32_0 = arith.constant 0 : i32
    %c0_i32_1 = arith.constant 0 : i32
    return %c0_i32, %c0_i32_0 : i32, i32
  }
  func.func @transform_6(%arg0: i32, %arg1: i32) -> (i32, i32) {
    %c0_i32 = arith.constant 0 : i32
    %c0_i32_0 = arith.constant 0 : i32
    %c0_i32_1 = arith.constant 0 : i32
    return %c0_i32, %c0_i32_0 : i32, i32
  }
  func.func @transform_7(%arg0: i32, %arg1: i32) -> (i32, i32) {
    %c0_i32 = arith.constant 0 : i32
    %c0_i32_0 = arith.constant 0 : i32
    %c0_i32_1 = arith.constant 0 : i32
    return %c0_i32, %c0_i32_0 : i32, i32
  }
  func.func @transform_8(%arg0: i32, %arg1: i32) -> (i32, i32) {
    %c0_i32 = arith.constant 0 : i32
    %c0_i32_0 = arith.constant 0 : i32
    %c0_i32_1 = arith.constant 0 : i32
    return %c0_i32, %c0_i32_0 : i32, i32
  }
  func.func @transform_9(%arg0: i32, %arg1: i32) -> (i32, i32) {
    %c0_i32 = arith.constant 0 : i32
    %c0_i32_0 = arith.constant 0 : i32
    %c0_i32_1 = arith.constant 0 : i32
    return %c0_i32, %c0_i32_0 : i32, i32
  }
  func.func @transform_10(%arg0: i32, %arg1: i32) -> (i32, i32) {
    %c0_i32 = arith.constant 0 : i32
    %c0_i32_0 = arith.constant 0 : i32
    %c0_i32_1 = arith.constant 0 : i32
    return %c0_i32, %c0_i32_0 : i32, i32
  }
  func.func @transform_11(%arg0: i32, %arg1: i32) -> (i32, i32) {
    %c0_i32 = arith.constant 0 : i32
    %c0_i32_0 = arith.constant 0 : i32
    %c0_i32_1 = arith.constant 0 : i32
    return %c0_i32, %c0_i32_0 : i32, i32
  }
  func.func @transform_12(%arg0: i32, %arg1: i32) -> (i32, i32) {
    %c0_i32 = arith.constant 0 : i32
    %c0_i32_0 = arith.constant 0 : i32
    %c0_i32_1 = arith.constant 0 : i32
    return %c0_i32, %c0_i32_0 : i32, i32
  }
  func.func @transform_13(%arg0: i32, %arg1: i32) -> (i32, i32) {
    %c0_i32 = arith.constant 0 : i32
    %c0_i32_0 = arith.constant 0 : i32
    %c0_i32_1 = arith.constant 0 : i32
    return %c0_i32, %c0_i32_0 : i32, i32
  }
  func.func @transform_14(%arg0: i32, %arg1: i32) -> (i32, i32) {
    %c0_i32 = arith.constant 0 : i32
    %c0_i32_0 = arith.constant 0 : i32
    %c0_i32_1 = arith.constant 0 : i32
    return %c0_i32, %c0_i32_0 : i32, i32
  }
  func.func @transform_15(%arg0: i32, %arg1: i32) -> (i32, i32) {
    %c0_i32 = arith.constant 0 : i32
    %c0_i32_0 = arith.constant 0 : i32
    return %c0_i32, %arg1 : i32, i32
  }
  func.func @transform_16(%arg0: i32, %arg1: i32) -> (i32, i32) {
    %c0_i32 = arith.constant 0 : i32
    %c0_i32_0 = arith.constant 0 : i32
    return %c0_i32, %arg1 : i32, i32
  }
  func.func @transform_18(%arg0: i32, %arg1: i32) -> (i32, i32, i32) {
    %c0_i32 = arith.constant 0 : i32
    %c0_i32_0 = arith.constant 0 : i32
    return %arg0, %c0_i32, %arg1 : i32, i32, i32
  }
  func.func @transform_19(%arg0: i32, %arg1: i32) -> (i32, i32) {
    %c0_i32 = arith.constant 0 : i32
    %c0_i32_0 = arith.constant 0 : i32
    %c0_i32_1 = arith.constant 0 : i32
    return %c0_i32, %c0_i32_0 : i32, i32
  }
}

</mosaic_0001>

<sc_bundles>
// kernel: kernel.8.cloned.1.call-start
scs
__scs_entry_jumppad:
0x0: {  	(pc) =	sbr.rel $0x88, $3  }
0x1: {  	(tag) =	ssettag $0x0;
	lr =	simm.s32 $0x1  }
0x2: {  	[smem:$0x3F88] =	sst lr;
	_ =	strace $0xD0000000  }
0x3: {  	_ = 	snop  }
0x4: {  	_ = 	snop  }
0x5: {  	_ = 	snop  }
0x6: {  	_ = 	snop  }
0x7: {  	_ = 	snop  }
__scs_overlays_trampoline_lowered:
0x8: {  	[smem:$0x3F97] =	sst s0  }
0x9: {  	[smem:$0x3F98] =	sst s1  }
0xa: {  	[smem:$0x3F99] =	sst s2  }
0xb: {  	[smem:$0x3F9A] =	sst s3  }
0xc: {  	[smem:$0x3F9B] =	sst s4  }
0xd: {  	[smem:$0x3F9C] =	sst s5  }
0xe: {  	[smem:$0x3F9D] =	sst s6  }
0xf: {  	[smem:$0x3F9E] =	sst s7  }
0x10: {  	[smem:$0x3F9F] =	sst s8  }
0x11: {  	[smem:$0x3FA0] =	sst s9;
	s0 =	simm.s32 @!p0 $0x0  }
0x12: {  	s1 =	sld [smem:$0x3F86];
	s0 =	simm.s32 @p0 $0x1  }
0x13: {  	[smem:$0x3FA1] =	sst s0;
	s0 =	simm.s32 @!p1 $0x0  }
0x14: {  	s2 =	sld [smem:$0x3F85];
	s0 =	simm.s32 @p1 $0x1  }
0x15: {  	[smem:$0x3FA2] =	sst s0;
	s0 =	simm.s32 @!p2 $0x0  }
0x16: {  	s3 =	sld [smem:$0x3FDB];
	s0 =	simm.s32 @p2 $0x1  }
0x17: {  	s4 =	simm.s32 $0x1BF5;
	[smem:$0x3FA4] =	sst s0  }
0x18: {  	s0 =	sld [smem:$0x3F87];
	_ =	swait.ge [sflag:s4], $0x0  }
0x19: {  	s7 =	sld [smem:$0x3F88]  }
0x1a: {  	s8 =	sadd.s32 $0xFFFFE003, lr  }
0x1b: {  	s9 =	sadd.s32 $0xFFFFFEF7, lr;
	s5 =	simm.s32 $0xFFFFFFFF;
	p2 =	slt.u32 s8, $0xFFFFF086  }
0x1c: {  	p1 =	slt.u32 s9, $0xF7A;
	s5 =	simm.s32 @!p2 $0x0  }
0x1d: {  	s5 =	simm.s32 @p1 $0x1;
	p0 =	seq.s32 s7, s2  }
0x1e: {  	s7 =	smul.u32 @!p0 $0xF7A, s2;
	p2 =	seq.s32 @!p0 s5, $0x0  }
0x1f: {  	s9 =	smul.u32 $0xF7A, s1;
	s8 =	simm.s32 @!p0 $0x1BF5;
	p2 =	por !p2, p0  }
0x20: {  	[sflag:s8] =	ssyncset.s32 @!p0 $0xFFFFF086;
	s6 =	sadd.s32 @!p0 s3, s7;
	s7 =	simm.s32 @!p0 $0x108  }
0x21: {  	s3 =	sadd.s32 s3, s9;
	s6 =	sadd.s32 @!p0 $0x88, s6;
	s7 =	simm.s32 @p2 $0x1082  }
0x22: {  	[simem:s7], [sflag:s8] =	dma.local @!p0 [hbm:s6], $0xF7A  }
0x23: {  	s9 =	sor.u32 $0xD0000000, s2;
	s6 =	simm.s32 $0x108;
	_ =	swait.ge @!p0 [sflag:s8], $0x0  }
0x24: {  	s3 =	sadd.s32 $0x88, s3;
	s6 =	simm.s32 @!p1 $0x1082;
	[sflag:s4] =	ssyncset.s32 $0xFFFFF086  }
0x25: {  	[simem:s6], [sflag:s4] =	dma.local [hbm:s3], $0xF7A  }
0x26: {  	[smem:$0x3F88] =	sst s1;
	(tag) =	ssettag s2;
	_ =	strace s9  }
0x27: {  	s1 =	sld [smem:$0x3F98]  }
0x28: {  	s2 =	sld [smem:$0x3F99]  }
0x29: {  	s4 =	sld [smem:$0x3F9B]  }
0x2a: {  	p0 =	seq.s32 s5, $0x0;
	s5 =	sld [smem:$0x3F9C]  }
0x2b: {  	s6 =	sld [smem:$0x3F9D]  }
0x2c: {  	s7 =	sld [smem:$0x3F9E]  }
0x2d: {  	s3 =	simm.s32 $0x108;
	s8 =	sld [smem:$0x3F9F]  }
0x2e: {  	s3 =	simm.s32 @!p0 $0x1082;
	s9 =	sld [smem:$0x3FA0]  }
0x2f: {  	lr =	sadd.s32 s0, s3;
	s0 =	sld [smem:$0x3F97]  }
0x30: {  	s3 =	sld [smem:$0x3F9A]  }
0x31: {  	[smem:$0x3FA3] =	sst s10  }
0x32: {  	s10 =	sld [smem:$0x3FA1];
	_ =	sdelay $0x3  }
0x33: {  	p0 =	seq.s32 s10, $0x1;
	s10 =	sld [smem:$0x3FA3];
	_ =	sdelay $0x3  }
0x34: {  	[smem:$0x3FA3] =	sst s10  }
0x35: {  	s10 =	sld [smem:$0x3FA2];
	_ =	sdelay $0x3  }
0x36: {  	p1 =	seq.s32 s10, $0x1;
	s10 =	sld [smem:$0x3FA3];
	_ =	sdelay $0x3  }
0x37: {  	[smem:$0x3FA3] =	sst s10  }
0x38: {  	s10 =	sld [smem:$0x3FA4]  }
0x39: {  	_ = 	snop;
	(pc) =	sbr.ind lr, $3  }
0x3a: {  	_ = 	snop  }
0x3b: {  	_ = 	snop  }
0x3c: {  	p2 =	seq.s32 s10, $0x1;
	s10 =	sld [smem:$0x3FA3]  }
0x3d: {  	_ =	shalt  }
0x3e: {  	_ =	shalt  }
0x3f: {  	_ =	shalt  }
0x40: {  	_ =	shalt  }
0x41: {  	_ =	shalt  }
0x42: {  	_ =	shalt  }
0x43: {  	_ =	shalt  }
0x44: {  	_ =	shalt  }
0x45: {  	_ =	shalt  }
0x46: {  	_ =	shalt  }
0x47: {  	_ =	shalt  }
0x48: {  	_ =	shalt  }
0x49: {  	_ =	shalt  }
0x4a: {  	_ =	shalt  }
0x4b: {  	_ =	shalt  }
0x4c: {  	_ =	shalt  }
0x4d: {  	_ =	shalt  }
0x4e: {  	_ =	shalt  }
0x4f: {  	_ =	shalt  }
0x50: {  	_ =	shalt  }
0x51: {  	_ =	shalt  }
0x52: {  	_ =	shalt  }
0x53: {  	_ =	shalt  }
0x54: {  	_ =	shalt  }
0x55: {  	_ =	shalt  }
0x56: {  	_ =	shalt  }
0x57: {  	_ =	shalt  }
0x58: {  	_ =	shalt  }
0x59: {  	_ =	shalt  }
0x5a: {  	_ =	shalt  }
0x5b: {  	_ =	shalt  }
0x5c: {  	_ =	shalt  }
0x5d: {  	_ =	shalt  }
0x5e: {  	_ =	shalt  }
0x5f: {  	_ =	shalt  }
0x60: {  	_ =	shalt  }
0x61: {  	_ =	shalt  }
0x62: {  	_ =	shalt  }
0x63: {  	_ =	shalt  }
0x64: {  	_ =	shalt  }
0x65: {  	_ =	shalt  }
0x66: {  	_ =	shalt  }
0x67: {  	_ =	shalt  }
0x68: {  	_ =	shalt  }
0x69: {  	_ =	shalt  }
0x6a: {  	_ =	shalt  }
0x6b: {  	_ =	shalt  }
0x6c: {  	_ =	shalt  }
0x6d: {  	_ =	shalt  }
0x6e: {  	_ =	shalt  }
0x6f: {  	_ =	shalt  }
0x70: {  	_ =	shalt  }
0x71: {  	_ =	shalt  }
0x72: {  	_ =	shalt  }
0x73: {  	_ =	shalt  }
0x74: {  	_ =	shalt  }
0x75: {  	_ =	shalt  }
0x76: {  	_ =	shalt  }
0x77: {  	_ =	shalt  }
0x78: {  	_ =	shalt  }
0x79: {  	_ =	shalt  }
0x7a: {  	_ =	shalt  }
0x7b: {  	_ =	shalt  }
0x7c: {  	_ =	shalt  }
0x7d: {  	_ =	shalt  }
0x7e: {  	_ =	shalt  }
0x7f: {  	_ =	shalt  }
0x80: {  	_ =	shalt  }
0x81: {  	_ =	shalt  }
0x82: {  	_ =	shalt  }
0x83: {  	_ =	shalt  }
0x84: {  	_ =	shalt  }
0x85: {  	_ =	shalt  }
0x86: {  	_ =	shalt  }
0x87: {  	_ =	shalt  }
.Lfunc_end0:
.L_simem_size_0:
called_computation.1_lowered:
.L_overlay_start_0:
0x88: {  	s2 =	sld [smem:$0x3FD9]  }
0x89: {  	s3 =	sld [smem:$0x3FFE];
	_ =	sdelay $0x1  }
0x8a: {  	s1 =	srdreg.scid  }
0x8b: {  	s0 =	sand.u32 $0x1, s1  }
0x8c: {  	s17 =	sshll.u32 s0, $0xA;
	s2 =	sadd.s32 s3, s2  }
0x8d: {  	s2 =	sadd.s32 s2, s17  }
0x8e: {  	[smem:$0x3FAF] =	sst s2  }
0x8f: {  	_ = 	snop  }
0x90: {  	s2 =	sld [smem:$0x3FB2];
	(tm) =	ssettm $0x1  }
0x91: {  	s18 =	sld [smem:$0x3FFB];
	_ =	sdelay $0x3  }
0x92: {  	_ =	strace s18  }
0x93: {  	s3 =	sld [smem:$0x3FFC];
	_ =	sdelay $0x3  }
0x94: {  	_ =	strace s3  }
0x95: {  	s3 =	sld [smem:$0x3FFD];
	_ =	sdelay $0x3  }
0x96: {  	_ =	strace s3  }
0x97: {  	_ =	strace $0x8FFFFFFF  }
0x98: {  	s19 =	sld [smem:$0x3FDB];
	_ =	sdelay $0x1  }
0x99: {  	s4 =	simm.s32 $_scs_section_size  }
0x9a: {  	s5 =	simm.s32 $_size__tile_overlayer_lowered;
	s6 =	simm.s32 $_tile_overlayer_lowered  }
0x9b: {  	s22 =	simm.s32 $0x1BFF;
	s21 =	sshll.u32 s6, $0x1;
	s3 =	sadd.s32 s4, s19  }
0x9c: {  	s7 =	simm.s32 $0x0;
	s20 =	sshll.u32 s5, $0x1;
	s5 =	sadd.s32 s21, s3  }
0x9d: {  	[timem:s7], [sflag:s22] =	dma.local [hbm:s5], s20  }
0x9e: {  	_ =	swait.ge [sflag:s22], s20  }
0x9f: {  	s4 =	ssub.s32 $0x0, s20;
	[sflag:s22] =	ssyncset.done $0x0  }
0xa0: {  	[sflag:s22] =	ssyncadd.s32 s4;
	_ =	sdelay $0x1  }
0xa1: {  	s23 =	simm.s32 $0x1B8B  }
0xa2: {  	_ =	swait.ge [sflag:s23], $0x1  }
0xa3: {  	[sflag:s23] =	ssyncset.done $0x0  }
0xa4: {  	s25 =	simm.s32 $0x1B8E;
	s24 =	sld [smem:$0x3FFE];
	[sflag:s23] =	ssyncadd.s32 $0xFFFFFFFF  }
0xa5: {  	s26 =	simm.s32 $execute0_lowered;
	[smem:$0x3FD2] =	sst s25  }
0xa6: {  	s5 =	sshll.u32 s26, $0x1;
	_ =	strace $0x80000046;
	[dreg:$0x1] =	wrdreg $0xFFFFFFFF  }
0xa7: {  	s28 =	simm.s32 $_size_execute0_lowered;
	s3 =	sadd.s32 s3, s5;
	[dreg:$0x0] =	wrdreg $0x0  }
0xa8: {  	s5 =	sshll.u32 s28, $0x1;
	[dreg:$0x2] =	wrdreg s3  }
0xa9: {  	[dreg:$0x3] =	wrdreg s5  }
0xaa: {  	[dreg:$0x4] =	wrdreg $0xC0  }
0xab: {  	_ =	task [dreg:s7], $0x5FFFF  }
0xac: {  	[dreg:$0x1] =	wrdreg $0xFFFFFFFF  }
0xad: {  	[dreg:$0x0] =	wrdreg $0x60  }
0xae: {  	[dreg:$0x2] =	wrdreg s2  }
0xaf: {  	[dreg:$0x3] =	wrdreg s24  }
0xb0: {  	[dreg:$0x4] =	wrdreg $0xA  }
0xb1: {  	_ =	task.clear_ibuf [dreg:s7], $0x5FFFF;
	_ =	strace $0x90000046  }
0xb2: {  	s29 =	simm.s32 $0xA;
	_ =	strace $0x80000048  }
0xb3: {  	_ =	swait.ge [sflag:s29], $0x1  }
0xb4: {  	[sflag:s29] =	ssyncadd.s32 $0xFFFFFFFF  }
0xb5: {  	_ =	strace $0x90000048  }
0xb6: {  	_ =	sfence  }
0xb7: {  	s30 =	sld [smem:$0x0];
	_ =	sdelay $0x2  }
0xb8: {  	s31 =	sshll.u32 s1, $0xD;
	s1 =	sshrl.u32 s1, $0x2  }
0xb9: {  	s3 =	sand.u32 $0x4000, s31;
	s1 =	sadd.s32 s1, s30  }
0xba: {  	s0 =	sor.u32 s3, s0;
	s1 =	sshll.u32 s1, $0x11  }
0xbb: {  	s0 =	sor.u32 s1, s0  }
0xbc: {  	s0 =	sadd.s32 $0x8F2B, s0  }
0xbd: {  	[sflag:s0] =	ssyncadd.remote.s32 $0x1  }
0xbe: {  	_ =	sfence.sel $0xFFFF  }
0xbf: {  	[dreg:$0x0] =	wrdreg $0xFFFFFFFF;
	(pc) =	sbr.abs _section_cstart, $3  }
0xc0: {  	[dreg:$0x1] =	wrdreg $0xFFFFFFFF  }
0xc1: {  	_ =	task.clear_ibuf [dreg:s7], $0x2FFFF;
	_ =	strace $0x9FFFFFFF  }
0xc2: {  	(tm) =	ssettm $0x7FFFFFFF  }
0xc3: {  	_ =	shalt  }
tec
execute0_lowered:
.L_overlay_start_1:
0x0: {  	(tag) =	ssettag $0x1  }
0x1: {  	s2 =	rddreg [dreg:$0x0]  }
0x2: {  	s4 =	rddreg [dreg:$0x1];
	s3 =	srdreg.scid  }
0x3: {  	s0 =	rddreg [dreg:$0x2];
	s1 =	stileid.u32  }
0x4: {  	s9 =	simm.s32 $0x80;
	s10 =	simm.s32 $0x880;
	s11 =	simm.s32 $0x1080  }
0x5: {  	s12 =	simm.s32 $0x1880;
	s13 =	simm.s32 $0x2080;
	s14 =	simm.s32 $0x2880  }
0x6: {  	s15 =	simm.s32 $0x3080;
	s16 =	simm.s32 $0x3880;
	s17 =	simm.s32 $0x4080  }
0x7: {  	s18 =	simm.s32 $0x4880;
	s19 =	simm.s32 $0x5080;
	s20 =	simm.s32 $0x5880  }
0x8: {  	s21 =	simm.s32 $0x6080;
	s22 =	simm.s32 $0x6880;
	s23 =	simm.s32 $0x7080  }
0x9: {  	s24 =	simm.s32 $0x7880;
	s25 =	simm.s32 $0x1;
	s5 =	sand.u32 $0x1, s3  }
0xa: {  	s3 =	simm.s32 $0x0;
	s6 =	sshll.u32 s1, $0x7;
	s7 =	sshll.u32 s5, $0x6  }
0xb: {  	[smem:$0x7FF] =	sst s3;
	s5 =	ssub.s32 $0x2, s5;
	s6 =	sor.u32 s7, s6  }
0xc: {  	_ =	strace $0x80000047;
	s8 =	sshrl.u32 s5, $0x1;
	s7 =	sshrl.u32 s6, $0x3  }
0xd: {  	v2 =	vlaneseq.u32;
	s6 =	sshll.u32 s6, $0x6;
	s8 =	ssub.s32 s5, s8;
	s7 =	sadd.s32 s7, s4  }
0xe: {  	vm0 =	vmmov $0xffff;
	v1 =	vshrl.u32 v2, $0x3;
	s5 =	sadd.s32 $0x100, s2;
	s6 =	sadd.s32 s6, s4;
	s4 =	sadd.s32 $0x5E00, s7  }
0xf: {  	v0 =	vand.u32 $0x7, v2;
	v2 =	vor.u32 $0x8, v2;
	v1 =	vmul.u32 $0x8, v1;
	s6 =	sadd.s32 $0x6000, s6;
	s7 =	smax.u32 s8, $0x1;
	s8 =	simm.s32 $0x2  }
.LBB2_1:
0x10: {  	[tilespmem:s3], [sflag:$0x2] =	stream.linear.gather [hbm4b:s4+s3], $0x40, $0x38;
	[tilespmem:$0x8080] =	vst v63  }
0x11: {  	_ =	swait.ge [sflag:s8], $0x40  }
0x12: {  	[sflag:s8] =	ssyncset.done $0x0  }
0x13: {  	[sflag:s8] =	ssyncadd.s32 $0xFFFFFFC0  }
0x14: {  	v3 =	vld [tilespmem:$0x0];
	_ =	sdelay $0x4  }
0x15: {  	v4 =	vshll.u32 v3, $0x2  }
0x16: {  	v3 =	vand.u32 $0x7, v3;
	v4 =	vand.u32 $0xFFFFFFE0, v4  }
0x17: {  	v3 =	vor.u32 v3, v4  }
0x18: {  	v4 =	vperm.xlane v3, v0;
	_ =	sdelay $0x1  }
0x19: {  	v4 =	vadd.s32 v1, v4;
	_ =	sdelay $0x1  }
0x1a: {  	v3 =	vperm.xlane v3, v2;
	_ =	sdelay $0x1  }
0x1b: {  	v3 =	vadd.s32 v1, v3  }
0x1c: {  	[tilespmem:s9], [sflag:$0x1] =	stream.indirect_vreg.gather [hbm4b:s2+s3], $0x80, v4, vm0, $0xb8;
	[tilespmem:$0x8080] =	vst v63  }
0x1d: {  	_ = 	snop  }
0x1e: {  	[tilespmem:s10], [sflag:$0x1] =	stream.indirect_vreg.gather [hbm4b:s5+s3], $0x80, v4, vm0, $0xb8;
	[tilespmem:$0x8080] =	vst v63  }
0x1f: {  	_ = 	snop  }
0x20: {  	[tilespmem:s11], [sflag:$0x1] =	stream.indirect_vreg.gather [hbm4b:s2+s3], $0x80, v3, vm0, $0xb8;
	[tilespmem:$0x8080] =	vst v63  }
0x21: {  	_ = 	snop  }
0x22: {  	[tilespmem:s12], [sflag:$0x1] =	stream.indirect_vreg.gather [hbm4b:s5+s3], $0x80, v3, vm0, $0xb8;
	[tilespmem:$0x8080] =	vst v63  }
0x23: {  	v3 =	vld [tilespmem:$0x10];
	_ =	sdelay $0x4  }
0x24: {  	v61 =	vshll.u32 v3, $0x2  }
0x25: {  	v3 =	vand.u32 $0x7, v3;
	v4 =	vand.u32 $0xFFFFFFE0, v61  }
0x26: {  	v3 =	vor.u32 v3, v4  }
0x27: {  	v4 =	vperm.xlane v3, v0;
	_ =	sdelay $0x1  }
0x28: {  	v4 =	vadd.s32 v1, v4;
	_ =	sdelay $0x1  }
0x29: {  	v3 =	vperm.xlane v3, v2;
	_ =	sdelay $0x1  }
0x2a: {  	v3 =	vadd.s32 v1, v3  }
0x2b: {  	[tilespmem:s13], [sflag:$0x1] =	stream.indirect_vreg.gather [hbm4b:s2+s3], $0x80, v4, vm0, $0xb8;
	[tilespmem:$0x8080] =	vst v63  }
0x2c: {  	_ = 	snop  }
0x2d: {  	[tilespmem:s14], [sflag:$0x1] =	stream.indirect_vreg.gather [hbm4b:s5+s3], $0x80, v4, vm0, $0xb8;
	[tilespmem:$0x8080] =	vst v63  }
0x2e: {  	_ = 	snop  }
0x2f: {  	[tilespmem:s15], [sflag:$0x1] =	stream.indirect_vreg.gather [hbm4b:s2+s3], $0x80, v3, vm0, $0xb8;
	[tilespmem:$0x8080] =	vst v63  }
0x30: {  	_ = 	snop  }
0x31: {  	[tilespmem:s16], [sflag:$0x1] =	stream.indirect_vreg.gather [hbm4b:s5+s3], $0x80, v3, vm0, $0xb8;
	[tilespmem:$0x8080] =	vst v63  }
0x32: {  	v3 =	vld [tilespmem:$0x20];
	_ =	sdelay $0x4  }
0x33: {  	v62 =	vshll.u32 v3, $0x2  }
0x34: {  	v3 =	vand.u32 $0x7, v3;
	v4 =	vand.u32 $0xFFFFFFE0, v62  }
0x35: {  	v3 =	vor.u32 v3, v4  }
0x36: {  	v4 =	vperm.xlane v3, v0;
	_ =	sdelay $0x1  }
0x37: {  	v4 =	vadd.s32 v1, v4;
	_ =	sdelay $0x1  }
0x38: {  	v3 =	vperm.xlane v3, v2;
	_ =	sdelay $0x1  }
0x39: {  	v3 =	vadd.s32 v1, v3  }
0x3a: {  	[tilespmem:s17], [sflag:$0x1] =	stream.indirect_vreg.gather [hbm4b:s2+s3], $0x80, v4, vm0, $0xb8;
	[tilespmem:$0x8080] =	vst v63  }
0x3b: {  	_ = 	snop  }
0x3c: {  	[tilespmem:s18], [sflag:$0x1] =	stream.indirect_vreg.gather [hbm4b:s5+s3], $0x80, v4, vm0, $0xb8;
	[tilespmem:$0x8080] =	vst v63  }
0x3d: {  	_ = 	snop  }
0x3e: {  	[tilespmem:s19], [sflag:$0x1] =	stream.indirect_vreg.gather [hbm4b:s2+s3], $0x80, v3, vm0, $0xb8;
	[tilespmem:$0x8080] =	vst v63  }
0x3f: {  	_ = 	snop  }
0x40: {  	[tilespmem:s20], [sflag:$0x1] =	stream.indirect_vreg.gather [hbm4b:s5+s3], $0x80, v3, vm0, $0xb8;
	[tilespmem:$0x8080] =	vst v63  }
0x41: {  	v3 =	vld [tilespmem:$0x30];
	_ =	sdelay $0x4  }
0x42: {  	v63 =	vshll.u32 v3, $0x2  }
0x43: {  	v3 =	vand.u32 $0x7, v3;
	v4 =	vand.u32 $0xFFFFFFE0, v63  }
0x44: {  	v3 =	vor.u32 v3, v4  }
0x45: {  	v4 =	vperm.xlane v3, v0;
	_ =	sdelay $0x1  }
0x46: {  	v4 =	vadd.s32 v1, v4;
	_ =	sdelay $0x1  }
0x47: {  	v3 =	vperm.xlane v3, v2;
	_ =	sdelay $0x1  }
0x48: {  	v3 =	vadd.s32 v1, v3  }
0x49: {  	[tilespmem:s21], [sflag:$0x1] =	stream.indirect_vreg.gather [hbm4b:s2+s3], $0x80, v4, vm0, $0xb8;
	[tilespmem:$0x8080] =	vst v63  }
0x4a: {  	_ = 	snop  }
0x4b: {  	[tilespmem:s22], [sflag:$0x1] =	stream.indirect_vreg.gather [hbm4b:s5+s3], $0x80, v4, vm0, $0xb8;
	[tilespmem:$0x8080] =	vst v63  }
0x4c: {  	_ = 	snop  }
0x4d: {  	[tilespmem:s23], [sflag:$0x1] =	stream.indirect_vreg.gather [hbm4b:s2+s3], $0x80, v3, vm0, $0xb8;
	[tilespmem:$0x8080] =	vst v63  }
0x4e: {  	_ = 	snop  }
0x4f: {  	[tilespmem:s24], [sflag:$0x1] =	stream.indirect_vreg.gather [hbm4b:s5+s3], $0x80, v3, vm0, $0xb8;
	[tilespmem:$0x8080] =	vst v63  }
0x50: {  	_ =	swait.ge [sflag:s25], $0x8000  }
0x51: {  	p0 =	sne.s32 s7, $0x1;
	[sflag:s25] =	ssyncset.done $0x0  }
.Ltmp0:
0x52: {  	[sflag:s25] =	ssyncadd.s32 $0xFFFF8000;
	(pc) =	sbr.rel @p0 .LBB2_1-.Ltmp0, $4  }
0x53: {  	[hbm4b:s6+s3] =	stream.linear.scatter [tilespmem:s9], [sflag:$0x2], $0x8000, $0x38;
	[tilespmem:$0x8080] =	vst v63  }
0x54: {  	_ =	swait.ge [sflag:s8], $0x8000  }
0x55: {  	[sflag:s8] =	ssyncset.done $0x0  }
0x56: {  	s7 =	sadd.s32 $0xFFFFFFFF, s7;
	[sflag:s8] =	ssyncadd.s32 $0xFFFF8000  }
0x57: {  	_ =	sfence.sel $0x180000  }
0x58: {  	[bflag:$0x0] =	sbarrier.arrive $0xFFFF  }
0x59: {  	p0 =	sne.s32 s1, $0x0;
	_ =	strace $0x90000047  }
0x5a: {  	s0 =	sadd.s32 @!p0 $0x100000, s0;
	[bflag:$0x2] =	sbarrier.arrive $0xFFFF  }
0x5b: {  	[sflag:s0] =	ssyncadd.tile.s32 @!p0 $0x1;
	_ =	shalt  }
.Lfunc_end2:
_tile_overlayer_lowered:
.L_overlay_start_2:
0x5c: {  	(tag) =	ssettag $0x2  }
0x5d: {  	s0 =	rddreg [dreg:$0x0];
	s2 =	stileid.u32  }
0x5e: {  	s1 =	rddreg [dreg:$0x1];
	p0 =	sne.s32 s2, $0x0  }
0x5f: {  	s3 =	rddreg [dreg:$0x2];
	[bflag:$0x3] =	sbarrier.arrive $0xFFFF;
	s2 =	simm.s32 @!p0 $0x1C02  }
0x60: {  	[timem:s3], [sflag:s2] =	dma.local @!p0 [hbm:s0], s1  }
0x61: {  	s0 =	simm.s32 @!p0 $0x2  }
0x62: {  	_ =	swait.ge @!p0 [sflag:s0], s1  }
0x63: {  	s1 =	ssub.s32 @!p0 $0x0, s1;
	[sflag:s0] =	ssyncset.done @!p0 $0x0  }
0x64: {  	[sflag:s0] =	ssyncadd.s32 @!p0 s1  }
0x65: {  	[bflag:$0x3] =	sbarrier.arrive $0xFFFF  }
0x66: {  	_ =	shalt  }

// kernel: sparse-core-data-format-call.cloned.1.call-start
scs
called_computation_lowered:
.L_overlay_start_0:
0x0: {  	s2 =	sld [smem:$0x3FD9]  }
0x1: {  	s3 =	sld [smem:$0x3FFE];
	_ =	sdelay $0x1  }
0x2: {  	s1 =	srdreg.scid  }
0x3: {  	s0 =	sand.u32 $0x1, s1  }
0x4: {  	s18 =	sshll.u32 s0, $0xA;
	s2 =	sadd.s32 s3, s2  }
0x5: {  	s2 =	sadd.s32 s2, s18  }
0x6: {  	[smem:$0x3FAF] =	sst s2  }
0x7: {  	_ = 	snop  }
0x8: {  	s19 =	sld [smem:$0x3FC8];
	(tm) =	ssettm $0x1  }
0x9: {  	s20 =	sld [smem:$0x3FFB];
	_ =	sdelay $0x3  }
0xa: {  	_ =	strace s20  }
0xb: {  	s2 =	sld [smem:$0x3FFC];
	_ =	sdelay $0x3  }
0xc: {  	_ =	strace s2  }
0xd: {  	s2 =	sld [smem:$0x3FFD];
	_ =	sdelay $0x3  }
0xe: {  	_ =	strace s2  }
0xf: {  	_ =	strace $0x8FFFFFFF  }
0x10: {  	s21 =	sld [smem:$0x3FDB];
	_ =	sdelay $0x1  }
0x11: {  	s4 =	simm.s32 $_scs_section_size  }
0x12: {  	s5 =	simm.s32 $_size__tile_overlayer_lowered;
	s6 =	simm.s32 $_tile_overlayer_lowered  }
0x13: {  	s7 =	simm.s32 $0x1BFF;
	s22 =	sshll.u32 s6, $0x1;
	s4 =	sadd.s32 s4, s21  }
0x14: {  	s23 =	simm.s32 $0x0;
	s5 =	sshll.u32 s5, $0x1;
	s6 =	sadd.s32 s22, s4  }
0x15: {  	[timem:s23], [sflag:s7] =	dma.local [hbm:s6], s5  }
0x16: {  	_ =	swait.ge [sflag:s7], s5  }
0x17: {  	s5 =	ssub.s32 $0x0, s5;
	[sflag:s7] =	ssyncset.done $0x0  }
0x18: {  	[sflag:s7] =	ssyncadd.s32 s5;
	_ =	sdelay $0x1  }
0x19: {  	s24 =	simm.s32 $0x1B8B  }
0x1a: {  	_ =	swait.ge [sflag:s24], $0x1  }
0x1b: {  	[sflag:s24] =	ssyncset.done $0x0  }
0x1c: {  	[sflag:s24] =	ssyncadd.s32 $0xFFFFFFFF  }
0x1d: {  	s5 =	sld [smem:$0x0]  }
0x1e: {  	s6 =	sand.u32 $0xFFFFFFFE, s1  }
0x1f: {  	p0 =	sne.s32 s1, s6  }
0x20: {  	s6 =	sshll.u32 @p0 s6, $0xE  }
0x21: {  	s6 =	sadd.s32 @p0 $0x11B8D, s6;
	s7 =	sshll.u32 @p0 s5, $0x11  }
0x22: {  	s6 =	sor.u32 @p0 s7, s6  }
0x23: {  	[sflag:s6] =	ssyncadd.remote.s32 @p0 $0x1;
	_ =	sdelay $0x1  }
0x24: {  	s6 =	simm.s32 @p0 $0x1B8D  }
0x25: {  	_ =	swait.eq @p0 [sflag:s6], $0x1  }
0x26: {  	[sflag:s6] =	ssyncadd.s32 @p0 $0xFFFFFFFF  }
0x27: {  	s7 =	sshll.u32 @!p0 s1, $0xE  }
0x28: {  	s7 =	sor.u32 @!p0 $0x4000, s7;
	s6 =	simm.s32 @!p0 $0x1B8D  }
0x29: {  	s5 =	sshll.u32 @!p0 s5, $0x11;
	s7 =	sadd.s32 @!p0 $0x11B8D, s7;
	_ =	swait.eq @!p0 [sflag:s6], $0x1  }
0x2a: {  	s5 =	sor.u32 @!p0 s5, s7;
	[sflag:s6] =	ssyncadd.s32 @!p0 $0xFFFFFFFF  }
0x2b: {  	s26 =	simm.s32 $0x1B8E;
	s25 =	sld [smem:$0x3FFE];
	[sflag:s5] =	ssyncadd.remote.s32 @!p0 $0x1  }
0x2c: {  	s27 =	simm.s32 $execute0_lowered;
	[smem:$0x3FD2] =	sst s26  }
0x2d: {  	s6 =	sshll.u32 s27, $0x1;
	_ =	strace $0x80000049;
	[dreg:$0x1] =	wrdreg $0xFFFFFFFF  }
0x2e: {  	s28 =	simm.s32 $_size_execute0_lowered;
	s4 =	sadd.s32 s4, s6;
	[dreg:$0x0] =	wrdreg $0x0  }
0x2f: {  	s6 =	sshll.u32 s28, $0x1;
	[dreg:$0x2] =	wrdreg s4  }
0x30: {  	[dreg:$0x3] =	wrdreg s6  }
0x31: {  	[dreg:$0x4] =	wrdreg $0xC0  }
0x32: {  	_ =	task [dreg:s23], $0x5FFFF  }
0x33: {  	[dreg:$0x1] =	wrdreg $0xFFFFFFFF  }
0x34: {  	[dreg:$0x0] =	wrdreg $0x60  }
0x35: {  	[dreg:$0x2] =	wrdreg s19  }
0x36: {  	[dreg:$0x3] =	wrdreg s25  }
0x37: {  	[dreg:$0x4] =	wrdreg $0x9  }
0x38: {  	_ =	task.clear_ibuf [dreg:s23], $0x5FFFF;
	_ =	strace $0x90000049  }
0x39: {  	s29 =	simm.s32 $0x9;
	_ =	strace $0x8000004B  }
0x3a: {  	_ =	swait.ge [sflag:s29], $0x1  }
0x3b: {  	[sflag:s29] =	ssyncadd.s32 $0xFFFFFFFF  }
0x3c: {  	_ =	strace $0x9000004B  }
0x3d: {  	_ =	sfence  }
0x3e: {  	s30 =	sld [smem:$0x0];
	_ =	sdelay $0x2  }
0x3f: {  	s31 =	sshll.u32 s1, $0xD;
	s1 =	sshrl.u32 s1, $0x2  }
0x40: {  	s4 =	sand.u32 $0x4000, s31;
	s1 =	sadd.s32 s1, s30  }
0x41: {  	s0 =	sor.u32 s4, s0;
	s1 =	sshll.u32 s1, $0x11  }
0x42: {  	s0 =	sor.u32 s1, s0  }
0x43: {  	s0 =	sadd.s32 $0x8F2B, s0  }
0x44: {  	[sflag:s0] =	ssyncadd.remote.s32 $0x1  }
0x45: {  	_ =	sfence.sel $0xFFFF  }
0x46: {  	[dreg:$0x0] =	wrdreg $0xFFFFFFFF;
	(pc) =	sbr.abs _section_cstart, $3  }
0x47: {  	[dreg:$0x1] =	wrdreg $0xFFFFFFFF  }
0x48: {  	_ =	task.clear_ibuf [dreg:s23], $0x2FFFF;
	_ =	strace $0x9FFFFFFF  }
0x49: {  	(tm) =	ssettm $0x7FFFFFFF  }
tec
execute0_lowered:
.L_overlay_start_1:
0x0: {  	(tag) =	ssettag $0x1  }
0x1: {  	s0 =	srdreg.scid  }
0x2: {  	s1 =	sshll.u32 s0, $0x4  }
0x3: {  	s0 =	stileid.u32;
	s1 =	sand.u32 $0x10, s1  }
0x4: {  	s3 =	rddreg [dreg:$0x0];
	s1 =	sor.u32 s0, s1  }
0x5: {  	s6 =	rddreg [dreg:$0x1];
	s2 =	sshll.u32 s1, $0x7  }
0x6: {  	s7 =	simm.s32 $0x2;
	s13 =	simm.s32 $0x0;
	s1 =	ssub.s32 $0x3E80, s2  }
0x7: {  	s8 =	simm.s32 $0x1F400;
	s12 =	simm.s32 $0x0;
	s4 =	sand.u32 $0xF80, s1  }
0x8: {  	s9 =	simm.s32 $0x0;
	p0 =	sne.s32 s4, $0x0;
	s4 =	simm.s32 $0x1  }
.Ltmp0:
0x9: {  	s5 =	sshrl.u32 s1, $0xC;
	s4 =	simm.s32 @!p0 $0x0;
	(pc) =	sbr.rel .LBB1_1-.Ltmp0, $4  }
0xa: {  	s11 =	simm.s32 $0x0;
	s1 =	rddreg [dreg:$0x2];
	s5 =	sadd.s32 s4, s5  }
0xb: {  	_ =	strace $0x8000004A;
	s4 =	simm.s32 $0x1;
	s5 =	smul.u32 $0x6, s5  }
0xc: {  	s6 =	sadd.s32 $0x26000, s6;
	s10 =	smov.u32 s2;
	[sflag:s4] =	ssyncpa.u1 $0x0  }
0xd: {  	p0 =	por $0x0, $0x0;
	[sflag:s7] =	ssyncpa.u1 $0x0;
	s7 =	sor.u32 $0x1, s5  }
.LBB1_4:
0xe: {  	s19 =	sshrl.u32 s13, $0x3  }
0xf: {  	s20 =	sshll.u32 s12, $0x3;
	s19 =	smul.u32 $0x1F400, s19  }
0x10: {  	s25 =	sshll.u32 s13, $0x7;
	s20 =	sand.u32 $0xFFFFFC00, s20  }
0x11: {  	s13 =	sand.u32 $0x380, s25;
	s19 =	sadd.s32 s20, s19  }
0x12: {  	v5 =	vld [tilespmem:s16+$0xFFFFFFD0];
	[tilespmem:s17+$0x2040 ss:$0x81] =	vst.msk $0xffff, v4;
	s26 =	sand.u32 $0x7F, s12;
	s13 =	sor.u32 s13, s19  }
0x13: {  	v58 =	vld [tilespmem:s16+$0xFFFFFFE0];
	[tilespmem:s17+$0x2850 ss:$0x81] =	vst.msk $0xffff, v3;
	s12 =	sor.u32 s26, s13;
	s13 =	smulhi.u32 $0x10624DD3, s13  }
0x14: {  	s18 =	sshra.s32 s18, $0x2;
	v59 =	vld [tilespmem:s16+$0xFFFFFFF0];
	[tilespmem:s17+$0x3060 ss:$0x81] =	vst.msk $0xffff, v2;
	s27 =	smulhi.u32 $0x10624DD3, s12  }
0x15: {  	v60 =	vld [tilespmem:s16+$0x0];
	[tilespmem:s17+$0x0 ss:$0x81] =	vst.msk $0xffff, v0;
	s15 =	sadd.s32 s18, s15;
	s13 =	sshrl.u32 s13, $0xA  }
0x16: {  	v61 =	vld [tilespmem:s16+$0x10];
	[tilespmem:s15+$0x3870 ss:$0x81] =	vst.msk $0xffff, v1;
	s28 =	sshrl.u32 s27, $0xA;
	s29 =	smulhi.u32 $0x555556, s13  }
0x17: {  	v62 =	vld [tilespmem:s16+$0x20];
	[tilespmem:s15+$0x810 ss:$0x81] =	vst.msk $0xffff, v5;
	s17 =	smul.u32 $0x3E80, s28  }
0x18: {  	v63 =	vld [tilespmem:s16+$0xFFFFFFC0];
	[tilespmem:s15+$0x1020 ss:$0x81] =	vst.msk $0xffff, v58;
	s30 =	smul.u32 $0x300, s29  }
0x19: {  	[tilespmem:s15+$0x1830 ss:$0x81] =	vst.msk $0xffff, v59  }
0x1a: {  	[tilespmem:s15+$0x2040 ss:$0x81] =	vst.msk $0xffff, v60;
	s12 =	ssub.s32 s12, s17;
	s13 =	ssub.s32 s13, s30  }
0x1b: {  	[tilespmem:s15+$0x2850 ss:$0x81] =	vst.msk $0xffff, v61;
	s31 =	sshrl.u32 s12, $0x3;
	s12 =	sand.u32 $0x7, s12;
	s13 =	smul.u32 $0x7D0, s13  }
0x1c: {  	[tilespmem:s15+$0x3060 ss:$0x81] =	vst.msk $0xffff, v62;
	s16 =	sadd.s32 s6, s31;
	s12 =	sshll.u32 s12, $0x12  }
0x1d: {  	[tilespmem:s15+$0x0 ss:$0x81] =	vst.msk $0xffff, v63;
	s12 =	sor.u32 $0x400, s12;
	s13 =	sadd.s32 s13, s16  }
0x1e: {  	[hbm4b:s13+s12] =	stream.strided.scatter [tilespmem:s14], [sflag:$0x2], $0x4000, s8, s12, $0x20;
	[tilespmem:$0x10100] =	vst v63  }
.LBB1_5:
0x1f: {  	s14 =	sadd.s32 $0x80, s9  }
0x20: {  	s12 =	sadd.s32 $0x1000, s10;
	s16 =	smov.u32 s10;
	p2 =	sgt.s32 s14, $0x2FF  }
0x21: {  	s16 =	smov.u32 @p2 s12  }
0x22: {  	s14 =	simm.s32 @p2 $0x0;
	p2 =	sgt.s32 s16, $0x3E7F  }
0x23: {  	s16 =	smov.u32 @p2 s2;
	p2 =	sne.s32 s11, s7  }
.Ltmp1:
0x24: {  	p1 =	slt.u32 s11, $0x2;
	(pc) =	sbr.rel @!p2 .LBB1_6-.Ltmp1, $4  }
0x25: {  	s15 =	simm.s32 @!p1 $0x2  }
0x26: {  	s13 =	smov.u32 s9;
	p0 =	por !p0, !p0;
	_ =	swait.ge @!p1 [sflag:s15], $0x4000  }
0x27: {  	s12 =	smov.u32 s10;
	[sflag:s15] =	ssyncset.done @!p1 $0x0;
	s9 =	smov.u32 s14  }
0x28: {  	s11 =	sadd.s32 $0x1, s11;
	[sflag:s15] =	ssyncadd.s32 @!p1 $0xFFFFC000;
	s10 =	smov.u32 s16  }
.LBB1_1:
0x29: {  	p1 =	sge.u32 s11, s5  }
0x2a: {  	s14 =	sshrl.u32 @!p1 s10, $0x3  }
0x2b: {  	s15 =	sshll.u32 @!p1 s9, $0x3;
	s14 =	smul.u32 @!p1 $0x1800, s14  }
0x2c: {  	s16 =	sshll.u32 @!p1 s10, $0x7;
	s15 =	sand.u32 @!p1 $0xFFFFFC00, s15  }
0x2d: {  	s14 =	sadd.s32 @!p1 s14, s15;
	s15 =	sand.u32 @!p1 $0x380, s16  }
0x2e: {  	s14 =	sor.u32 @!p1 s15, s14  }
0x2f: {  	s15 =	sand.u32 @!p1 $0x7F, s9;
	s16 =	smulhi.u32 @!p1 $0xAAAAAAAB, s14  }
0x30: {  	s14 =	sor.u32 @!p1 s15, s14  }
0x31: {  	s15 =	smulhi.u32 @!p1 $0xAAAAAAAB, s14;
	s16 =	sshrl.u32 @!p1 s16, $0x9  }
0x32: {  	s17 =	smulhi.u32 @!p1 $0x83126F, s16  }
0x33: {  	s15 =	sshrl.u32 @!p1 s15, $0x9  }
0x34: {  	s15 =	smul.u32 @!p1 $0x300, s15;
	s17 =	sshrl.u32 @!p1 s17, $0x5  }
0x35: {  	s17 =	smul.u32 @!p1 $0x3E80, s17  }
0x36: {  	s31 =	sadd.s32 $0xFFFFFFFF, s11;
	s18 =	sxor.u32 @!p1 $0xFFFFFFFF, s11  }
0x37: {  	s14 =	ssub.s32 @!p1 s14, s15;
	s15 =	sshll.u32 @!p1 s18, $0xE;
	s16 =	ssub.s32 @!p1 s16, s17  }
0x38: {  	s17 =	sshrl.u32 @!p1 s14, $0x3;
	s14 =	sand.u32 @!p1 $0x7, s14;
	s16 =	smul.u32 @!p1 $0x60, s16  }
0x39: {  	s15 =	sand.u32 @!p1 $0x4000, s15;
	s17 =	sadd.s32 @!p1 s3, s17;
	s14 =	sshll.u32 @!p1 s14, $0x12  }
0x3a: {  	s14 =	sor.u32 @!p1 $0x400, s14;
	s16 =	sadd.s32 @!p1 s16, s17;
	s17 =	simm.s32 @!p1 $0x1800  }
0x3b: {  	[tilespmem:s15], [sflag:$0x1] =	stream.strided.gather @!p1 [hbm4b:s16+s14], $0x4000, s17, s14, $0x38;
	[tilespmem:$0x10100] =	vst v63  }
0x3c: {  	p1 =	sge.u32 s31, s5  }
.Ltmp2:
0x3d: {  	_ = 	snop;
	(pc) =	sbr.rel @p1 .LBB1_5-.Ltmp2, $1  }
0x3e: {  	_ =	sdelay $0x3  }
0x3f: {  	s14 =	simm.s32 $0x1  }
0x40: {  	_ =	swait.ge [sflag:s4], $0x4000;
	s14 =	simm.s32 @!p0 $0x0  }
0x41: {  	[sflag:s4] =	ssyncset.done $0x0;
	s15 =	sshll.u32 s14, $0xE  }
0x42: {  	[sflag:s4] =	ssyncadd.s32 $0xFFFFC000;
	s16 =	sor.u32 $0x40, s15  }
0x43: {  	s14 =	smul.u32 $0x10200, s14;
	v0 =	vld [tilespmem:s16+$0x30]  }
0x44: {  	v1 =	vld [tilespmem:s16+$0xFFFFFFD0]  }
0x45: {  	s14 =	sshrl.u32 s14, $0x2;
	v5 =	vld [tilespmem:s16+$0xFFFFFFE0]  }
0x46: {  	v6 =	vld [tilespmem:s16+$0xFFFFFFF0];
	s15 =	sor.u32 $0x8000, s14  }
0x47: {  	s31 =	sand.u32 $0x1, s11;
	v4 =	vld [tilespmem:s16+$0x0];
	s17 =	sadd.s32 $0x0, s15  }
0x48: {  	v3 =	vld [tilespmem:s16+$0x10];
	s14 =	smul.u32 $0x10200, s31;
	[tilespmem:s17+$0x3870 ss:$0x81] =	vst.msk $0xffff, v0  }
0x49: {  	v2 =	vld [tilespmem:s16+$0x20];
	[tilespmem:s17+$0x810 ss:$0x81] =	vst.msk $0xffff, v1  }
0x4a: {  	s14 =	sshrl.u32 s14, $0x2;
	v0 =	vld [tilespmem:s16+$0xFFFFFFC0];
	[tilespmem:s17+$0x1020 ss:$0x81] =	vst.msk $0xffff, v5;
	s16 =	sadd.s32 $0x80, s16  }
0x4b: {  	s18 =	simm.s32 $0x4;
	s19 =	simm.s32 $0x8;
	s14 =	sor.u32 $0x8000, s14;
	[tilespmem:s17+$0x1830 ss:$0x81] =	vst.msk $0xffff, v6;
	v1 =	vld [tilespmem:s16+$0x30]  }
.LBB1_3:
0x4c: {  	p1 =	sne.s32 s19, $0x1FC;
	v5 =	vld [tilespmem:s16+$0xFFFFFFD0];
	[tilespmem:s17+$0x2040 ss:$0x81] =	vst.msk $0xffff, v4  }
0x4d: {  	v6 =	vld [tilespmem:s16+$0xFFFFFFE0];
	[tilespmem:s17+$0x2850 ss:$0x81] =	vst.msk $0xffff, v3  }
0x4e: {  	s20 =	sshra.s32 s18, $0x2;
	s18 =	smov.u32 s19;
	v7 =	vld [tilespmem:s16+$0xFFFFFFF0];
	[tilespmem:s17+$0x3060 ss:$0x81] =	vst.msk $0xffff, v2  }
.Ltmp3:
0x4f: {  	v4 =	vld [tilespmem:s16+$0x0];
	[tilespmem:s17+$0x0 ss:$0x81] =	vst.msk $0xffff, v0;
	s17 =	sadd.s32 s20, s15;
	(pc) =	sbr.rel @p1 .LBB1_3-.Ltmp3, $4  }
0x50: {  	v3 =	vld [tilespmem:s16+$0x10];
	[tilespmem:s17+$0x3870 ss:$0x81] =	vst.msk $0xffff, v1  }
0x51: {  	[tilespmem:s17+$0x810 ss:$0x81] =	vst.msk $0xffff, v5;
	v2 =	vld [tilespmem:s16+$0x20]  }
0x52: {  	v0 =	vld [tilespmem:s16+$0xFFFFFFC0];
	[tilespmem:s17+$0x1020 ss:$0x81] =	vst.msk $0xffff, v6;
	s16 =	sadd.s32 $0x80, s16  }
0x53: {  	s19 =	sadd.s32 $0x4, s19;
	v1 =	vld [tilespmem:s16+$0x30];
	[tilespmem:s17+$0x1830 ss:$0x81] =	vst.msk $0xffff, v7  }
.Ltmp4:
0x54: {  	_ = 	snop;
	(pc) =	sbr.rel .LBB1_4-.Ltmp4, $1  }
0x55: {  	_ =	sdelay $0x3  }
.LBB1_6:
0x56: {  	_ =	sfence.sel $0x180000  }
0x57: {  	s2 =	simm.s32 $0x1;
	[bflag:$0x0] =	sbarrier.arrive $0xFFFF  }
0x58: {  	s31 =	simm.s32 $0x2;
	[sflag:s2] =	ssyncpa.u1 $0x1  }
0x59: {  	[sflag:s31] =	ssyncpa.u1 $0x1  }
0x5a: {  	p0 =	sne.s32 s0, $0x0;
	_ =	strace $0x9000004A  }
0x5b: {  	s0 =	sadd.s32 @!p0 $0x100000, s1;
	[bflag:$0x2] =	sbarrier.arrive $0xFFFF  }
0x5c: {  	[sflag:s0] =	ssyncadd.tile.s32 @!p0 $0x1;
	_ =	shalt  }
.Lfunc_end1:
_tile_overlayer_lowered:
.L_overlay_start_2:
0x5d: {  	(tag) =	ssettag $0x2  }
0x5e: {  	s0 =	rddreg [dreg:$0x0];
	s2 =	stileid.u32  }
0x5f: {  	s1 =	rddreg [dreg:$0x1];
	p0 =	sne.s32 s2, $0x0  }
0x60: {  	s3 =	rddreg [dreg:$0x2];
	[bflag:$0x3] =	sbarrier.arrive $0xFFFF;
	s2 =	simm.s32 @!p0 $0x1C01  }
0x61: {  	[timem:s3], [sflag:s2] =	dma.local @!p0 [hbm:s0], s1  }
0x62: {  	s0 =	simm.s32 @!p0 $0x1  }
0x63: {  	_ =	swait.ge @!p0 [sflag:s0], s1  }
0x64: {  	s1 =	ssub.s32 @!p0 $0x0, s1;
	[sflag:s0] =	ssyncset.done @!p0 $0x0  }
0x65: {  	[sflag:s0] =	ssyncadd.s32 @!p0 s1  }
0x66: {  	[bflag:$0x3] =	sbarrier.arrive $0xFFFF  }
0x67: {  	_ =	shalt  }

</sc_bundles>
